<compile_context>
chip_gen: v7x
topology: tpu7x:2x2x1
jax: 0.10.2.dev20260603
libtpu: 0.0.44.dev20260713+nightly
codegen_flags: <defaults>
</compile_context>

<pallas_src>
import jax
import jax.numpy as jnp
from jax import lax
from jax.experimental import pallas as pl
from jax.experimental.pallas import tpu as pltpu
from jax.experimental.pallas import tpu_sc as plsc

B, S, HIDDEN = 4, 2048, 1024
LANES = 16
NUM_CORES = 2
NUM_SUBCORES = 16
NW = NUM_CORES * NUM_SUBCORES
TOKENS = B * S
PER_W = TOKENS // NW
W_PER_ROW = S // PER_W
CHUNK = 16
NCHUNK = PER_W // CHUNK
CPH = HIDDEN // LANES
NS = 3


def _embed_body(ids, pids, wtab, ptab, out, idx_w, idx_p, buf_w, buf_p,
                sem_w, sem_p, sem_o):
    wid = lax.axis_index("s") * NUM_CORES + lax.axis_index("c")
    row = wid // W_PER_ROW
    col = (wid % W_PER_ROW) * PER_W
    pltpu.sync_copy(ids.at[row, pl.ds(col, PER_W)], idx_w)
    pltpu.sync_copy(pids.at[row, pl.ds(col, PER_W)], idx_p)

    def idx_slice(ref, j):
        return ref.at[pl.ds(pl.multiple_of(j * CHUNK, 8), CHUNK)]

    def gathers(j, s):
        cw = pltpu.make_async_copy(wtab.at[idx_slice(idx_w, j)],
                                   buf_w.at[s], sem_w.at[s])
        cp = pltpu.make_async_copy(ptab.at[idx_slice(idx_p, j)],
                                   buf_p.at[s], sem_p.at[s])
        return cw, cp

    def issue_gathers(j, s):
        cw, cp = gathers(j, s)
        cw.start()
        cp.start()

    def wait_gathers(j, s):
        cw, cp = gathers(j, s)
        cw.wait()
        cp.wait()

    def add_chunk(s):
        @plsc.parallel_loop(0, CHUNK * CPH, unroll=16)
        def _add(t):
            r = t >> 6
            c = pl.multiple_of((t & (CPH - 1)) << 4, LANES)
            plsc.addupdate(buf_w.at[s, r, pl.ds(c, LANES)],
                           buf_p[s, r, pl.ds(c, LANES)])

    def out_copy(j, s):
        tok = pl.multiple_of(col + j * CHUNK, 8)
        return pltpu.make_async_copy(buf_w.at[s], out.at[row, pl.ds(tok, CHUNK)],
                                     sem_o.at[s])

    for j in range(NS):
        issue_gathers(j, j)
    wait_gathers(0, 0)
    add_chunk(0)
    out_copy(0, 0).start()

    def steady(j, carry):
        s = lax.rem(j, NS)
        sp = lax.rem(j - 1, NS)
        wait_gathers(j, s)
        out_copy(j - 1, sp).wait()
        add_chunk(s)
        issue_gathers(j + NS - 1, sp)
        out_copy(j, s).start()
        return carry

    lax.fori_loop(1, NCHUNK - NS + 1, steady, 0)

    for j in range(NCHUNK - NS + 1, NCHUNK):
        s = j % NS
        wait_gathers(j, s)
        add_chunk(s)
        out_copy(j, s).start()
    for j in range(NCHUNK - NS, NCHUNK):
        out_copy(j, j % NS).wait()


@jax.jit
def kernel(input_ids, position_ids, attention_mask, word_emb, pos_emb):
    ids = input_ids.astype(jnp.int32)
    pids = position_ids.astype(jnp.int32)
    mesh = plsc.VectorSubcoreMesh(
        core_axis_name="c",
        subcore_axis_name="s",
        num_cores=NUM_CORES,
        num_subcores=NUM_SUBCORES,
    )
    out = pl.kernel(
        _embed_body,
        out_type=jax.ShapeDtypeStruct((B, S, HIDDEN), jnp.float32),
        mesh=mesh,
        scratch_types=[
            pltpu.VMEM((PER_W,), jnp.int32),
            pltpu.VMEM((PER_W,), jnp.int32),
            pltpu.VMEM((NS, CHUNK, HIDDEN), jnp.float32),
            pltpu.VMEM((NS, CHUNK, HIDDEN), jnp.float32),
            pltpu.SemaphoreType.DMA((NS,)),
            pltpu.SemaphoreType.DMA((NS,)),
            pltpu.SemaphoreType.DMA((NS,)),
        ],
    )(ids, pids, word_emb, pos_emb)
    return out, attention_mask

# --- scband reference (transcript-rebuilt; emitter-appended) ---
"""Pipeline reference for scband-embed-block-66254165508388 (READ-ONLY COPY).

The authoritative reference and input builder live on the scoring server;
editing this copy changes nothing except your own understanding.
"""

import jax, jax.numpy as jnp
import numpy as np

VOCAB = 100000
HIDDEN = 1024
MAX_SEQ = 2048
B, S = 4, 2048


def setup_inputs(seed: int = 0) -> dict:
    key = jax.random.key(seed)
    k1, k2, k3, k4 = jax.random.split(key, 4)
    input_ids = jax.random.randint(k1, (B, S), 0, VOCAB, dtype=jnp.int64 if jax.config.jax_enable_x64 else jnp.int32)
    position_ids = jax.random.randint(k2, (B, S), 0, MAX_SEQ, dtype=jnp.int64 if jax.config.jax_enable_x64 else jnp.int32)
    attention_mask = jnp.ones((B, S), dtype=bool)
    word_emb = jax.random.normal(k3, (VOCAB, HIDDEN), dtype=jnp.float32) * 0.02
    pos_emb = jax.random.normal(k4, (MAX_SEQ, HIDDEN), dtype=jnp.float32) * 0.02
    return {"input_ids": input_ids, "position_ids": position_ids, "attention_mask": attention_mask, "word_emb": word_emb, "pos_emb": pos_emb}


def reference(input_ids, position_ids, attention_mask, word_emb, pos_emb):
    # word embedding lookup (VocabParallelEmbedding == plain embedding in single-chip math)
    words_embeddings = jnp.take(word_emb, input_ids, axis=0)
    # position embedding lookup
    position_embeddings = jnp.take(pos_emb, position_ids, axis=0)
    embeddings = words_embeddings + position_embeddings
    # dropout is identity in eval mode
    return (embeddings, attention_mask)

if __name__ == "__main__":
    import jax
    _d = setup_inputs()
    print(jax.jit(kernel)(*tuple(_d.values())))

</pallas_src>

<mosaic_0001>
#map = affine_map<(d0, d1) -> (0, 0)>
#map1 = affine_map<(d0, d1) -> (0, 0, 0)>
module attributes {stable_mosaic.version = 14 : i64} {
  func.func @_embed_body(%arg0: i32, %arg1: i32, %arg2: memref<4x2048xi32, #tpu.memory_space<hbm>>, %arg3: memref<4x2048xi32, #tpu.memory_space<hbm>>, %arg4: memref<100000x1024xf32, #tpu.memory_space<hbm>>, %arg5: memref<2048x1024xf32, #tpu.memory_space<hbm>>, %arg6: memref<4x2048x1024xf32, #tpu.memory_space<hbm>>, %arg7: memref<256xi32, #tpu.memory_space<vmem>>, %arg8: memref<256xi32, #tpu.memory_space<vmem>>, %arg9: memref<3x16x1024xf32, #tpu.memory_space<vmem>>, %arg10: memref<3x16x1024xf32, #tpu.memory_space<vmem>>, %arg11: memref<3x!tpu.dma_semaphore, #tpu.memory_space<semaphore_mem>>, %arg12: memref<3x!tpu.dma_semaphore, #tpu.memory_space<semaphore_mem>>, %arg13: memref<3x!tpu.dma_semaphore, #tpu.memory_space<semaphore_mem>>) attributes {dimension_semantics = [#tpu.dimension_semantics<core_parallel>, #tpu.dimension_semantics<subcore_parallel>], iteration_bounds = array<i64: 2, 16>, scalar_prefetch = 0 : i64, scratch_operands = 7 : i64, tpu.core_type = #tpu.core_type<sc_vector_subcore>, window_params = [{transform_indices = #map}, {transform_indices = #map}, {transform_indices = #map}, {transform_indices = #map}, {transform_indices = #map1}]} {
    %mul3A = arith.constant 2 : i32
    %mul3A_0 = arith.muli %arg1, %mul3A : i32
    %add3A = arith.addi %mul3A_0, %arg0 : i32
    %jit3A = arith.constant 8 : i32
    %div3A = arith.divsi %add3A, %jit3A : i32
    %sign3A = arith.constant 0 : i32
    %sign3A_1 = arith.cmpi sgt, %add3A, %sign3A : i32
    %sign3A_2 = arith.extui %sign3A_1 : i1 to i32
    %sign3A_3 = arith.constant 0 : i32
    %sign3A_4 = arith.cmpi slt, %add3A, %sign3A_3 : i32
    %sign3A_5 = arith.extui %sign3A_4 : i1 to i32
    %sign3A_6 = arith.subi %sign3A_2, %sign3A_5 : i32
    %sign3A_7 = arith.constant 0 : i32
    %sign3A_8 = arith.cmpi sgt, %jit3A, %sign3A_7 : i32
    %sign3A_9 = arith.extui %sign3A_8 : i1 to i32
    %sign3A_10 = arith.constant 0 : i32
    %sign3A_11 = arith.cmpi slt, %jit3A, %sign3A_10 : i32
    %sign3A_12 = arith.extui %sign3A_11 : i1 to i32
    %sign3A_13 = arith.subi %sign3A_9, %sign3A_12 : i32
    %ne3A = arith.cmpi ne, %sign3A_6, %sign3A_13 : i32
    %rem3A = arith.remsi %add3A, %jit3A : i32
    %ne3A_14 = arith.constant 0 : i32
    %ne3A_15 = arith.cmpi ne, %rem3A, %ne3A_14 : i32
    %and3A = arith.andi %ne3A, %ne3A_15 : i1
    %sub3A = arith.constant 1 : i32
    %sub3A_16 = arith.subi %div3A, %sub3A : i32
    %select_n3A = arith.select %and3A, %sub3A_16, %div3A : i32
    %jit3A_17 = arith.constant 8 : i32
    %eq3A = arith.constant 0 : i32
    %eq3A_18 = arith.cmpi eq, %jit3A_17, %eq3A : i32
    %jit3A_19 = arith.constant 1 : i32
    %select_n3A_20 = arith.select %eq3A_18, %jit3A_19, %jit3A_17 : i32
    %rem3A_21 = arith.remsi %add3A, %select_n3A_20 : i32
    %ne3A_22 = arith.constant 0 : i32
    %ne3A_23 = arith.cmpi ne, %rem3A_21, %ne3A_22 : i32
    %lt3A = arith.constant 0 : i32
    %lt3A_24 = arith.cmpi slt, %rem3A_21, %lt3A : i32
    %lt3A_25 = arith.constant 0 : i32
    %lt3A_26 = arith.cmpi slt, %select_n3A_20, %lt3A_25 : i32
    %ne3A_27 = arith.xori %lt3A_24, %lt3A_26 : i1
    %and3A_28 = arith.andi %ne3A_27, %ne3A_23 : i1
    %add3A_29 = arith.addi %rem3A_21, %select_n3A_20 : i32
    %select_n3A_30 = arith.select %and3A_28, %add3A_29, %rem3A_21 : i32
    %mul3A_31 = arith.constant 256 : i32
    %mul3A_32 = arith.muli %select_n3A_30, %mul3A_31 : i32
    "tpu.region"() ({
      %run_scoped3A = tpu.sem_alloc : memref<!tpu.dma_semaphore, #tpu.memory_space<semaphore_mem>>
      %dma_start3A_337 = tpu.memref_slice %arg2[%select_n3A, %mul3A_32] : memref<4x2048xi32, #tpu.memory_space<hbm>> -> memref<1x256xi32, #tpu.memory_space<hbm>>
      %dma_start3A_338 = tpu.memref_squeeze %dma_start3A_337 : memref<1x256xi32, #tpu.memory_space<hbm>> -> memref<256xi32, #tpu.memory_space<hbm>>
      %dma_start3A_339 = tpu.memref_slice %arg2[%select_n3A, %mul3A_32] : memref<4x2048xi32, #tpu.memory_space<hbm>> -> memref<1x256xi32, #tpu.memory_space<hbm>>
      %dma_start3A_340 = tpu.memref_squeeze %dma_start3A_339 : memref<1x256xi32, #tpu.memory_space<hbm>> -> memref<256xi32, #tpu.memory_space<hbm>>
      tpu.enqueue_dma source(%dma_start3A_340 : memref<256xi32, #tpu.memory_space<hbm>>) target(%arg7 : memref<256xi32, #tpu.memory_space<vmem>>) target_semaphore(%run_scoped3A : memref<!tpu.dma_semaphore, #tpu.memory_space<semaphore_mem>>)
      %dma_wait3A_341 = tpu.memref_slice %arg2[%select_n3A, %mul3A_32] : memref<4x2048xi32, #tpu.memory_space<hbm>> -> memref<1x256xi32, #tpu.memory_space<hbm>>
      %dma_wait3A_342 = tpu.memref_squeeze %dma_wait3A_341 : memref<1x256xi32, #tpu.memory_space<hbm>> -> memref<256xi32, #tpu.memory_space<hbm>>
      %dma_wait3A_343 = tpu.memref_slice %arg2[%select_n3A, %mul3A_32] : memref<4x2048xi32, #tpu.memory_space<hbm>> -> memref<1x256xi32, #tpu.memory_space<hbm>>
      %dma_wait3A_344 = tpu.memref_squeeze %dma_wait3A_343 : memref<1x256xi32, #tpu.memory_space<hbm>> -> memref<256xi32, #tpu.memory_space<hbm>>
      tpu.wait_dma2 semaphore(%run_scoped3A : memref<!tpu.dma_semaphore, #tpu.memory_space<semaphore_mem>>) src(%dma_wait3A_344 : memref<256xi32, #tpu.memory_space<hbm>>) dst(%arg7 : memref<256xi32, #tpu.memory_space<vmem>>)
      tpu.yield
    }) : () -> ()
    "tpu.region"() ({
      %run_scoped3A = tpu.sem_alloc : memref<!tpu.dma_semaphore, #tpu.memory_space<semaphore_mem>>
      %dma_start3A_337 = tpu.memref_slice %arg3[%select_n3A, %mul3A_32] : memref<4x2048xi32, #tpu.memory_space<hbm>> -> memref<1x256xi32, #tpu.memory_space<hbm>>
      %dma_start3A_338 = tpu.memref_squeeze %dma_start3A_337 : memref<1x256xi32, #tpu.memory_space<hbm>> -> memref<256xi32, #tpu.memory_space<hbm>>
      %dma_start3A_339 = tpu.memref_slice %arg3[%select_n3A, %mul3A_32] : memref<4x2048xi32, #tpu.memory_space<hbm>> -> memref<1x256xi32, #tpu.memory_space<hbm>>
      %dma_start3A_340 = tpu.memref_squeeze %dma_start3A_339 : memref<1x256xi32, #tpu.memory_space<hbm>> -> memref<256xi32, #tpu.memory_space<hbm>>
      tpu.enqueue_dma source(%dma_start3A_340 : memref<256xi32, #tpu.memory_space<hbm>>) target(%arg8 : memref<256xi32, #tpu.memory_space<vmem>>) target_semaphore(%run_scoped3A : memref<!tpu.dma_semaphore, #tpu.memory_space<semaphore_mem>>)
      %dma_wait3A_341 = tpu.memref_slice %arg3[%select_n3A, %mul3A_32] : memref<4x2048xi32, #tpu.memory_space<hbm>> -> memref<1x256xi32, #tpu.memory_space<hbm>>
      %dma_wait3A_342 = tpu.memref_squeeze %dma_wait3A_341 : memref<1x256xi32, #tpu.memory_space<hbm>> -> memref<256xi32, #tpu.memory_space<hbm>>
      %dma_wait3A_343 = tpu.memref_slice %arg3[%select_n3A, %mul3A_32] : memref<4x2048xi32, #tpu.memory_space<hbm>> -> memref<1x256xi32, #tpu.memory_space<hbm>>
      %dma_wait3A_344 = tpu.memref_squeeze %dma_wait3A_343 : memref<1x256xi32, #tpu.memory_space<hbm>> -> memref<256xi32, #tpu.memory_space<hbm>>
      tpu.wait_dma2 semaphore(%run_scoped3A : memref<!tpu.dma_semaphore, #tpu.memory_space<semaphore_mem>>) src(%dma_wait3A_344 : memref<256xi32, #tpu.memory_space<hbm>>) dst(%arg8 : memref<256xi32, #tpu.memory_space<vmem>>)
      tpu.yield
    }) : () -> ()
    %multiple_of3A = arith.constant 0 : i32
    %multiple_of3A_33 = tpu.assume_multiple %multiple_of3A, 8 : i32
    %multiple_of3A_34 = arith.constant 0 : i32
    %multiple_of3A_35 = tpu.assume_multiple %multiple_of3A_34, 8 : i32
    %dma_start3A = arith.constant 0 : i32
    %dma_start3A_36 = arith.constant 0 : i32
    %dma_start3A_37 = arith.constant 0 : i32
    %dma_start3A_38 = arith.constant 0 : i32
    %dma_start3A_39 = tpu.memref_slice %arg9[%dma_start3A, %dma_start3A_37, %dma_start3A_38] : memref<3x16x1024xf32, #tpu.memory_space<vmem>> -> memref<1x16x1024xf32, #tpu.memory_space<vmem>>
    %dma_start3A_40 = tpu.memref_squeeze %dma_start3A_39 : memref<1x16x1024xf32, #tpu.memory_space<vmem>> -> memref<16x1024xf32, #tpu.memory_space<vmem>>
    %dma_start3A_41 = tpu.memref_slice %arg7[%multiple_of3A_33] : memref<256xi32, #tpu.memory_space<vmem>> -> memref<16xi32, #tpu.memory_space<vmem>>
    %dma_start3A_42 = arith.constant 0 : i32
    %dma_start3A_43 = arith.constant 0 : i32
    %dma_start3A_44 = tpu.memref_slice %arg4[%dma_start3A_42, %dma_start3A_43] : memref<100000x1024xf32, #tpu.memory_space<hbm>> -> memref<100000x1024xf32, #tpu.memory_space<hbm>>
    %dma_start3A_45 = tpu.memref_slice %arg11[%dma_start3A_36] : memref<3x!tpu.dma_semaphore, #tpu.memory_space<semaphore_mem>> -> memref<1x!tpu.dma_semaphore, #tpu.memory_space<semaphore_mem>>
    %dma_start3A_46 = tpu.memref_squeeze %dma_start3A_45 : memref<1x!tpu.dma_semaphore, #tpu.memory_space<semaphore_mem>> -> memref<!tpu.dma_semaphore, #tpu.memory_space<semaphore_mem>>
    tpu.enqueue_indirect_dma source(%dma_start3A_44 : memref<100000x1024xf32, #tpu.memory_space<hbm>>) target(%dma_start3A_40 : memref<16x1024xf32, #tpu.memory_space<vmem>>) offsets(%dma_start3A_41 : memref<16xi32, #tpu.memory_space<vmem>>) semaphore(%dma_start3A_46 : memref<!tpu.dma_semaphore, #tpu.memory_space<semaphore_mem>>)
    %dma_start3A_47 = arith.constant 0 : i32
    %dma_start3A_48 = arith.constant 0 : i32
    %dma_start3A_49 = arith.constant 0 : i32
    %dma_start3A_50 = arith.constant 0 : i32
    %dma_start3A_51 = tpu.memref_slice %arg10[%dma_start3A_47, %dma_start3A_49, %dma_start3A_50] : memref<3x16x1024xf32, #tpu.memory_space<vmem>> -> memref<1x16x1024xf32, #tpu.memory_space<vmem>>
    %dma_start3A_52 = tpu.memref_squeeze %dma_start3A_51 : memref<1x16x1024xf32, #tpu.memory_space<vmem>> -> memref<16x1024xf32, #tpu.memory_space<vmem>>
    %dma_start3A_53 = tpu.memref_slice %arg8[%multiple_of3A_35] : memref<256xi32, #tpu.memory_space<vmem>> -> memref<16xi32, #tpu.memory_space<vmem>>
    %dma_start3A_54 = arith.constant 0 : i32
    %dma_start3A_55 = arith.constant 0 : i32
    %dma_start3A_56 = tpu.memref_slice %arg5[%dma_start3A_54, %dma_start3A_55] : memref<2048x1024xf32, #tpu.memory_space<hbm>> -> memref<2048x1024xf32, #tpu.memory_space<hbm>>
    %dma_start3A_57 = tpu.memref_slice %arg12[%dma_start3A_48] : memref<3x!tpu.dma_semaphore, #tpu.memory_space<semaphore_mem>> -> memref<1x!tpu.dma_semaphore, #tpu.memory_space<semaphore_mem>>
    %dma_start3A_58 = tpu.memref_squeeze %dma_start3A_57 : memref<1x!tpu.dma_semaphore, #tpu.memory_space<semaphore_mem>> -> memref<!tpu.dma_semaphore, #tpu.memory_space<semaphore_mem>>
    tpu.enqueue_indirect_dma source(%dma_start3A_56 : memref<2048x1024xf32, #tpu.memory_space<hbm>>) target(%dma_start3A_52 : memref<16x1024xf32, #tpu.memory_space<vmem>>) offsets(%dma_start3A_53 : memref<16xi32, #tpu.memory_space<vmem>>) semaphore(%dma_start3A_58 : memref<!tpu.dma_semaphore, #tpu.memory_space<semaphore_mem>>)
    %multiple_of3A_59 = arith.constant 16 : i32
    %multiple_of3A_60 = tpu.assume_multiple %multiple_of3A_59, 8 : i32
    %multiple_of3A_61 = arith.constant 16 : i32
    %multiple_of3A_62 = tpu.assume_multiple %multiple_of3A_61, 8 : i32
    %dma_start3A_63 = arith.constant 1 : i32
    %dma_start3A_64 = arith.constant 1 : i32
    %dma_start3A_65 = arith.constant 0 : i32
    %dma_start3A_66 = arith.constant 0 : i32
    %dma_start3A_67 = tpu.memref_slice %arg9[%dma_start3A_63, %dma_start3A_65, %dma_start3A_66] : memref<3x16x1024xf32, #tpu.memory_space<vmem>> -> memref<1x16x1024xf32, #tpu.memory_space<vmem>>
    %dma_start3A_68 = tpu.memref_squeeze %dma_start3A_67 : memref<1x16x1024xf32, #tpu.memory_space<vmem>> -> memref<16x1024xf32, #tpu.memory_space<vmem>>
    %dma_start3A_69 = tpu.memref_slice %arg7[%multiple_of3A_60] : memref<256xi32, #tpu.memory_space<vmem>> -> memref<16xi32, #tpu.memory_space<vmem>>
    %dma_start3A_70 = arith.constant 0 : i32
    %dma_start3A_71 = arith.constant 0 : i32
    %dma_start3A_72 = tpu.memref_slice %arg4[%dma_start3A_70, %dma_start3A_71] : memref<100000x1024xf32, #tpu.memory_space<hbm>> -> memref<100000x1024xf32, #tpu.memory_space<hbm>>
    %dma_start3A_73 = tpu.memref_slice %arg11[%dma_start3A_64] : memref<3x!tpu.dma_semaphore, #tpu.memory_space<semaphore_mem>> -> memref<1x!tpu.dma_semaphore, #tpu.memory_space<semaphore_mem>>
    %dma_start3A_74 = tpu.memref_squeeze %dma_start3A_73 : memref<1x!tpu.dma_semaphore, #tpu.memory_space<semaphore_mem>> -> memref<!tpu.dma_semaphore, #tpu.memory_space<semaphore_mem>>
    tpu.enqueue_indirect_dma source(%dma_start3A_72 : memref<100000x1024xf32, #tpu.memory_space<hbm>>) target(%dma_start3A_68 : memref<16x1024xf32, #tpu.memory_space<vmem>>) offsets(%dma_start3A_69 : memref<16xi32, #tpu.memory_space<vmem>>) semaphore(%dma_start3A_74 : memref<!tpu.dma_semaphore, #tpu.memory_space<semaphore_mem>>)
    %dma_start3A_75 = arith.constant 1 : i32
    %dma_start3A_76 = arith.constant 1 : i32
    %dma_start3A_77 = arith.constant 0 : i32
    %dma_start3A_78 = arith.constant 0 : i32
    %dma_start3A_79 = tpu.memref_slice %arg10[%dma_start3A_75, %dma_start3A_77, %dma_start3A_78] : memref<3x16x1024xf32, #tpu.memory_space<vmem>> -> memref<1x16x1024xf32, #tpu.memory_space<vmem>>
    %dma_start3A_80 = tpu.memref_squeeze %dma_start3A_79 : memref<1x16x1024xf32, #tpu.memory_space<vmem>> -> memref<16x1024xf32, #tpu.memory_space<vmem>>
    %dma_start3A_81 = tpu.memref_slice %arg8[%multiple_of3A_62] : memref<256xi32, #tpu.memory_space<vmem>> -> memref<16xi32, #tpu.memory_space<vmem>>
    %dma_start3A_82 = arith.constant 0 : i32
    %dma_start3A_83 = arith.constant 0 : i32
    %dma_start3A_84 = tpu.memref_slice %arg5[%dma_start3A_82, %dma_start3A_83] : memref<2048x1024xf32, #tpu.memory_space<hbm>> -> memref<2048x1024xf32, #tpu.memory_space<hbm>>
    %dma_start3A_85 = tpu.memref_slice %arg12[%dma_start3A_76] : memref<3x!tpu.dma_semaphore, #tpu.memory_space<semaphore_mem>> -> memref<1x!tpu.dma_semaphore, #tpu.memory_space<semaphore_mem>>
    %dma_start3A_86 = tpu.memref_squeeze %dma_start3A_85 : memref<1x!tpu.dma_semaphore, #tpu.memory_space<semaphore_mem>> -> memref<!tpu.dma_semaphore, #tpu.memory_space<semaphore_mem>>
    tpu.enqueue_indirect_dma source(%dma_start3A_84 : memref<2048x1024xf32, #tpu.memory_space<hbm>>) target(%dma_start3A_80 : memref<16x1024xf32, #tpu.memory_space<vmem>>) offsets(%dma_start3A_81 : memref<16xi32, #tpu.memory_space<vmem>>) semaphore(%dma_start3A_86 : memref<!tpu.dma_semaphore, #tpu.memory_space<semaphore_mem>>)
    %multiple_of3A_87 = arith.constant 32 : i32
    %multiple_of3A_88 = tpu.assume_multiple %multiple_of3A_87, 8 : i32
    %multiple_of3A_89 = arith.constant 32 : i32
    %multiple_of3A_90 = tpu.assume_multiple %multiple_of3A_89, 8 : i32
    %dma_start3A_91 = arith.constant 2 : i32
    %dma_start3A_92 = arith.constant 2 : i32
    %dma_start3A_93 = arith.constant 0 : i32
    %dma_start3A_94 = arith.constant 0 : i32
    %dma_start3A_95 = tpu.memref_slice %arg9[%dma_start3A_91, %dma_start3A_93, %dma_start3A_94] : memref<3x16x1024xf32, #tpu.memory_space<vmem>> -> memref<1x16x1024xf32, #tpu.memory_space<vmem>>
    %dma_start3A_96 = tpu.memref_squeeze %dma_start3A_95 : memref<1x16x1024xf32, #tpu.memory_space<vmem>> -> memref<16x1024xf32, #tpu.memory_space<vmem>>
    %dma_start3A_97 = tpu.memref_slice %arg7[%multiple_of3A_88] : memref<256xi32, #tpu.memory_space<vmem>> -> memref<16xi32, #tpu.memory_space<vmem>>
    %dma_start3A_98 = arith.constant 0 : i32
    %dma_start3A_99 = arith.constant 0 : i32
    %dma_start3A_100 = tpu.memref_slice %arg4[%dma_start3A_98, %dma_start3A_99] : memref<100000x1024xf32, #tpu.memory_space<hbm>> -> memref<100000x1024xf32, #tpu.memory_space<hbm>>
    %dma_start3A_101 = tpu.memref_slice %arg11[%dma_start3A_92] : memref<3x!tpu.dma_semaphore, #tpu.memory_space<semaphore_mem>> -> memref<1x!tpu.dma_semaphore, #tpu.memory_space<semaphore_mem>>
    %dma_start3A_102 = tpu.memref_squeeze %dma_start3A_101 : memref<1x!tpu.dma_semaphore, #tpu.memory_space<semaphore_mem>> -> memref<!tpu.dma_semaphore, #tpu.memory_space<semaphore_mem>>
    tpu.enqueue_indirect_dma source(%dma_start3A_100 : memref<100000x1024xf32, #tpu.memory_space<hbm>>) target(%dma_start3A_96 : memref<16x1024xf32, #tpu.memory_space<vmem>>) offsets(%dma_start3A_97 : memref<16xi32, #tpu.memory_space<vmem>>) semaphore(%dma_start3A_102 : memref<!tpu.dma_semaphore, #tpu.memory_space<semaphore_mem>>)
    %dma_start3A_103 = arith.constant 2 : i32
    %dma_start3A_104 = arith.constant 2 : i32
    %dma_start3A_105 = arith.constant 0 : i32
    %dma_start3A_106 = arith.constant 0 : i32
    %dma_start3A_107 = tpu.memref_slice %arg10[%dma_start3A_103, %dma_start3A_105, %dma_start3A_106] : memref<3x16x1024xf32, #tpu.memory_space<vmem>> -> memref<1x16x1024xf32, #tpu.memory_space<vmem>>
    %dma_start3A_108 = tpu.memref_squeeze %dma_start3A_107 : memref<1x16x1024xf32, #tpu.memory_space<vmem>> -> memref<16x1024xf32, #tpu.memory_space<vmem>>
    %dma_start3A_109 = tpu.memref_slice %arg8[%multiple_of3A_90] : memref<256xi32, #tpu.memory_space<vmem>> -> memref<16xi32, #tpu.memory_space<vmem>>
    %dma_start3A_110 = arith.constant 0 : i32
    %dma_start3A_111 = arith.constant 0 : i32
    %dma_start3A_112 = tpu.memref_slice %arg5[%dma_start3A_110, %dma_start3A_111] : memref<2048x1024xf32, #tpu.memory_space<hbm>> -> memref<2048x1024xf32, #tpu.memory_space<hbm>>
    %dma_start3A_113 = tpu.memref_slice %arg12[%dma_start3A_104] : memref<3x!tpu.dma_semaphore, #tpu.memory_space<semaphore_mem>> -> memref<1x!tpu.dma_semaphore, #tpu.memory_space<semaphore_mem>>
    %dma_start3A_114 = tpu.memref_squeeze %dma_start3A_113 : memref<1x!tpu.dma_semaphore, #tpu.memory_space<semaphore_mem>> -> memref<!tpu.dma_semaphore, #tpu.memory_space<semaphore_mem>>
    tpu.enqueue_indirect_dma source(%dma_start3A_112 : memref<2048x1024xf32, #tpu.memory_space<hbm>>) target(%dma_start3A_108 : memref<16x1024xf32, #tpu.memory_space<vmem>>) offsets(%dma_start3A_109 : memref<16xi32, #tpu.memory_space<vmem>>) semaphore(%dma_start3A_114 : memref<!tpu.dma_semaphore, #tpu.memory_space<semaphore_mem>>)
    %multiple_of3A_115 = arith.constant 0 : i32
    %multiple_of3A_116 = tpu.assume_multiple %multiple_of3A_115, 8 : i32
    %multiple_of3A_117 = arith.constant 0 : i32
    %multiple_of3A_118 = tpu.assume_multiple %multiple_of3A_117, 8 : i32
    %dma_wait3A = arith.constant 0 : i32
    %dma_wait3A_119 = arith.constant 0 : i32
    %dma_wait3A_120 = arith.constant 0 : i32
    %dma_wait3A_121 = arith.constant 0 : i32
    %dma_wait3A_122 = tpu.memref_slice %arg9[%dma_wait3A, %dma_wait3A_120, %dma_wait3A_121] : memref<3x16x1024xf32, #tpu.memory_space<vmem>> -> memref<1x16x1024xf32, #tpu.memory_space<vmem>>
    %dma_wait3A_123 = tpu.memref_squeeze %dma_wait3A_122 : memref<1x16x1024xf32, #tpu.memory_space<vmem>> -> memref<16x1024xf32, #tpu.memory_space<vmem>>
    %dma_wait3A_124 = tpu.memref_slice %arg7[%multiple_of3A_116] : memref<256xi32, #tpu.memory_space<vmem>> -> memref<16xi32, #tpu.memory_space<vmem>>
    %dma_wait3A_125 = arith.constant 0 : i32
    %dma_wait3A_126 = arith.constant 0 : i32
    %dma_wait3A_127 = tpu.memref_slice %arg4[%dma_wait3A_125, %dma_wait3A_126] : memref<100000x1024xf32, #tpu.memory_space<hbm>> -> memref<100000x1024xf32, #tpu.memory_space<hbm>>
    %dma_wait3A_128 = tpu.memref_slice %arg11[%dma_wait3A_119] : memref<3x!tpu.dma_semaphore, #tpu.memory_space<semaphore_mem>> -> memref<1x!tpu.dma_semaphore, #tpu.memory_space<semaphore_mem>>
    %dma_wait3A_129 = tpu.memref_squeeze %dma_wait3A_128 : memref<1x!tpu.dma_semaphore, #tpu.memory_space<semaphore_mem>> -> memref<!tpu.dma_semaphore, #tpu.memory_space<semaphore_mem>>
    tpu.wait_indirect_dma semaphore(%dma_wait3A_129 : memref<!tpu.dma_semaphore, #tpu.memory_space<semaphore_mem>>) src(%dma_wait3A_127 : memref<100000x1024xf32, #tpu.memory_space<hbm>>) dst(%dma_wait3A_123 : memref<16x1024xf32, #tpu.memory_space<vmem>>)
    %dma_wait3A_130 = arith.constant 0 : i32
    %dma_wait3A_131 = arith.constant 0 : i32
    %dma_wait3A_132 = arith.constant 0 : i32
    %dma_wait3A_133 = arith.constant 0 : i32
    %dma_wait3A_134 = tpu.memref_slice %arg10[%dma_wait3A_130, %dma_wait3A_132, %dma_wait3A_133] : memref<3x16x1024xf32, #tpu.memory_space<vmem>> -> memref<1x16x1024xf32, #tpu.memory_space<vmem>>
    %dma_wait3A_135 = tpu.memref_squeeze %dma_wait3A_134 : memref<1x16x1024xf32, #tpu.memory_space<vmem>> -> memref<16x1024xf32, #tpu.memory_space<vmem>>
    %dma_wait3A_136 = tpu.memref_slice %arg8[%multiple_of3A_118] : memref<256xi32, #tpu.memory_space<vmem>> -> memref<16xi32, #tpu.memory_space<vmem>>
    %dma_wait3A_137 = arith.constant 0 : i32
    %dma_wait3A_138 = arith.constant 0 : i32
    %dma_wait3A_139 = tpu.memref_slice %arg5[%dma_wait3A_137, %dma_wait3A_138] : memref<2048x1024xf32, #tpu.memory_space<hbm>> -> memref<2048x1024xf32, #tpu.memory_space<hbm>>
    %dma_wait3A_140 = tpu.memref_slice %arg12[%dma_wait3A_131] : memref<3x!tpu.dma_semaphore, #tpu.memory_space<semaphore_mem>> -> memref<1x!tpu.dma_semaphore, #tpu.memory_space<semaphore_mem>>
    %dma_wait3A_141 = tpu.memref_squeeze %dma_wait3A_140 : memref<1x!tpu.dma_semaphore, #tpu.memory_space<semaphore_mem>> -> memref<!tpu.dma_semaphore, #tpu.memory_space<semaphore_mem>>
    tpu.wait_indirect_dma semaphore(%dma_wait3A_141 : memref<!tpu.dma_semaphore, #tpu.memory_space<semaphore_mem>>) src(%dma_wait3A_139 : memref<2048x1024xf32, #tpu.memory_space<hbm>>) dst(%dma_wait3A_135 : memref<16x1024xf32, #tpu.memory_space<vmem>>)
    %parallel_loop3A = arith.constant 0 : i32
    %parallel_loop3A_142 = arith.constant 1024 : i32
    %parallel_loop3A_143 = arith.constant 1 : i32
    scf.for %parallel_loop3A_337 = %parallel_loop3A to %parallel_loop3A_142 step %parallel_loop3A_143  : i32 {
      %parallel_loop3A_338 = arith.constant 6 : i32
      %parallel_loop3A_339 = arith.shrsi %parallel_loop3A_337, %parallel_loop3A_338 : i32
      %parallel_loop3A_340 = arith.constant 63 : i32
      %parallel_loop3A_341 = arith.andi %parallel_loop3A_337, %parallel_loop3A_340 : i32
      %parallel_loop3A_342 = arith.constant 4 : i32
      %parallel_loop3A_343 = arith.shli %parallel_loop3A_341, %parallel_loop3A_342 : i32
      %parallel_loop3A_344 = tpu.assume_multiple %parallel_loop3A_343, 16 : i32
      %parallel_loop3A_345 = arith.constant 0 : i32
      %parallel_loop3A_346 = arith.index_cast %parallel_loop3A_345 : i32 to index
      %parallel_loop3A_347 = arith.index_cast %parallel_loop3A_339 : i32 to index
      %parallel_loop3A_348 = arith.index_cast %parallel_loop3A_344 : i32 to index
      %parallel_loop3A_349 = tpu.vector_load %arg10[%parallel_loop3A_346, %parallel_loop3A_347, %parallel_loop3A_348] {strides = array<i32>} : memref<3x16x1024xf32, #tpu.memory_space<vmem>>, vector<1x1x16xf32>,
      %parallel_loop3A_350 = vector.shape_cast %parallel_loop3A_349 : vector<1x1x16xf32> to vector<16xf32>
      %parallel_loop3A_351 = arith.constant 0 : i32
      %parallel_loop3A_352 = arith.index_cast %parallel_loop3A_351 : i32 to index
      %parallel_loop3A_353 = arith.index_cast %parallel_loop3A_339 : i32 to index
      %parallel_loop3A_354 = arith.index_cast %parallel_loop3A_344 : i32 to index
      %parallel_loop3A_355 = tpu.vector_load %arg9[%parallel_loop3A_352, %parallel_loop3A_353, %parallel_loop3A_354] {strides = array<i32>} : memref<3x16x1024xf32, #tpu.memory_space<vmem>>, vector<1x1x16xf32>,
      %parallel_loop3A_356 = vector.shape_cast %parallel_loop3A_355 : vector<1x1x16xf32> to vector<16xf32>
      %parallel_loop3A_357 = vector.shape_cast %parallel_loop3A_350 : vector<16xf32> to vector<1x1x16xf32>
      tpu.vector_store %arg9[%parallel_loop3A_352, %parallel_loop3A_353, %parallel_loop3A_354], %parallel_loop3A_357 {add = true, strides = array<i32>} : memref<3x16x1024xf32, #tpu.memory_space<vmem>>, vector<1x1x16xf32>,
    } {sc.loop_unroll_factor = 16 : i64, sc.parallel_access}
    %add3A_144 = arith.constant 0 : i32
    %add3A_145 = arith.addi %mul3A_32, %add3A_144 : i32
    %multiple_of3A_146 = tpu.assume_multiple %add3A_145, 8 : i32
    %dma_start3A_147 = arith.constant 0 : i32
    %dma_start3A_148 = arith.constant 0 : i32
    %dma_start3A_149 = arith.constant 0 : i32
    %dma_start3A_150 = arith.constant 0 : i32
    %dma_start3A_151 = tpu.memref_slice %arg9[%dma_start3A_147, %dma_start3A_149, %dma_start3A_150] : memref<3x16x1024xf32, #tpu.memory_space<vmem>> -> memref<1x16x1024xf32, #tpu.memory_space<vmem>>
    %dma_start3A_152 = tpu.memref_squeeze %dma_start3A_151 : memref<1x16x1024xf32, #tpu.memory_space<vmem>> -> memref<16x1024xf32, #tpu.memory_space<vmem>>
    %dma_start3A_153 = arith.constant 0 : i32
    %dma_start3A_154 = tpu.memref_slice %arg6[%select_n3A, %multiple_of3A_146, %dma_start3A_153] : memref<4x2048x1024xf32, #tpu.memory_space<hbm>> -> memref<1x16x1024xf32, #tpu.memory_space<hbm>>
    %dma_start3A_155 = tpu.memref_squeeze %dma_start3A_154 : memref<1x16x1024xf32, #tpu.memory_space<hbm>> -> memref<16x1024xf32, #tpu.memory_space<hbm>>
    %dma_start3A_156 = tpu.memref_slice %arg13[%dma_start3A_148] : memref<3x!tpu.dma_semaphore, #tpu.memory_space<semaphore_mem>> -> memref<1x!tpu.dma_semaphore, #tpu.memory_space<semaphore_mem>>
    %dma_start3A_157 = tpu.memref_squeeze %dma_start3A_156 : memref<1x!tpu.dma_semaphore, #tpu.memory_space<semaphore_mem>> -> memref<!tpu.dma_semaphore, #tpu.memory_space<semaphore_mem>>
    %dma_start3A_158 = arith.constant 0 : i32
    %dma_start3A_159 = tpu.memref_slice %arg6[%select_n3A, %multiple_of3A_146, %dma_start3A_158] : memref<4x2048x1024xf32, #tpu.memory_space<hbm>> -> memref<1x16x1024xf32, #tpu.memory_space<hbm>>
    %dma_start3A_160 = tpu.memref_squeeze %dma_start3A_159 : memref<1x16x1024xf32, #tpu.memory_space<hbm>> -> memref<16x1024xf32, #tpu.memory_space<hbm>>
    %dma_start3A_161 = arith.constant 0 : i32
    %dma_start3A_162 = arith.constant 0 : i32
    %dma_start3A_163 = tpu.memref_slice %arg9[%dma_start3A_147, %dma_start3A_161, %dma_start3A_162] : memref<3x16x1024xf32, #tpu.memory_space<vmem>> -> memref<1x16x1024xf32, #tpu.memory_space<vmem>>
    %dma_start3A_164 = tpu.memref_squeeze %dma_start3A_163 : memref<1x16x1024xf32, #tpu.memory_space<vmem>> -> memref<16x1024xf32, #tpu.memory_space<vmem>>
    tpu.enqueue_dma source(%dma_start3A_164 : memref<16x1024xf32, #tpu.memory_space<vmem>>) target(%dma_start3A_160 : memref<16x1024xf32, #tpu.memory_space<hbm>>) target_semaphore(%dma_start3A_157 : memref<!tpu.dma_semaphore, #tpu.memory_space<semaphore_mem>>)
    %scan3A = arith.constant 0 : i32
    %scan3A_165 = arith.constant 1 : i32
    %scan3A_166 = arith.constant 13 : i32
    %scan3A_167 = arith.addi %scan3A_165, %scan3A_166 : i32
    %scan3A_168 = arith.constant 1 : i32
    scf.for %scan3A_337 = %scan3A_165 to %scan3A_167 step %scan3A_168  : i32 {
      %rem3A_338 = arith.constant 3 : i32
      %rem3A_339 = arith.remsi %scan3A_337, %rem3A_338 : i32
      %sub3A_340 = arith.constant 1 : i32
      %sub3A_341 = arith.subi %scan3A_337, %sub3A_340 : i32
      %rem3A_342 = arith.constant 3 : i32
      %rem3A_343 = arith.remsi %sub3A_341, %rem3A_342 : i32
      %mul3A_344 = arith.constant 16 : i32
      %mul3A_345 = arith.muli %scan3A_337, %mul3A_344 : i32
      %multiple_of3A_346 = tpu.assume_multiple %mul3A_345, 8 : i32
      %mul3A_347 = arith.constant 16 : i32
      %mul3A_348 = arith.muli %scan3A_337, %mul3A_347 : i32
      %multiple_of3A_349 = tpu.assume_multiple %mul3A_348, 8 : i32
      %dma_wait3A_350 = arith.constant 0 : i32
      %dma_wait3A_351 = arith.constant 0 : i32
      %dma_wait3A_352 = tpu.memref_slice %arg9[%rem3A_339, %dma_wait3A_350, %dma_wait3A_351] : memref<3x16x1024xf32, #tpu.memory_space<vmem>> -> memref<1x16x1024xf32, #tpu.memory_space<vmem>>
      %dma_wait3A_353 = tpu.memref_squeeze %dma_wait3A_352 : memref<1x16x1024xf32, #tpu.memory_space<vmem>> -> memref<16x1024xf32, #tpu.memory_space<vmem>>
      %dma_wait3A_354 = tpu.memref_slice %arg7[%multiple_of3A_346] : memref<256xi32, #tpu.memory_space<vmem>> -> memref<16xi32, #tpu.memory_space<vmem>>
      %dma_wait3A_355 = arith.constant 0 : i32
      %dma_wait3A_356 = arith.constant 0 : i32
      %dma_wait3A_357 = tpu.memref_slice %arg4[%dma_wait3A_355, %dma_wait3A_356] : memref<100000x1024xf32, #tpu.memory_space<hbm>> -> memref<100000x1024xf32, #tpu.memory_space<hbm>>
      %dma_wait3A_358 = tpu.memref_slice %arg11[%rem3A_339] : memref<3x!tpu.dma_semaphore, #tpu.memory_space<semaphore_mem>> -> memref<1x!tpu.dma_semaphore, #tpu.memory_space<semaphore_mem>>
      %dma_wait3A_359 = tpu.memref_squeeze %dma_wait3A_358 : memref<1x!tpu.dma_semaphore, #tpu.memory_space<semaphore_mem>> -> memref<!tpu.dma_semaphore, #tpu.memory_space<semaphore_mem>>
      tpu.wait_indirect_dma semaphore(%dma_wait3A_359 : memref<!tpu.dma_semaphore, #tpu.memory_space<semaphore_mem>>) src(%dma_wait3A_357 : memref<100000x1024xf32, #tpu.memory_space<hbm>>) dst(%dma_wait3A_353 : memref<16x1024xf32, #tpu.memory_space<vmem>>)
      %dma_wait3A_360 = arith.constant 0 : i32
      %dma_wait3A_361 = arith.constant 0 : i32
      %dma_wait3A_362 = tpu.memref_slice %arg10[%rem3A_339, %dma_wait3A_360, %dma_wait3A_361] : memref<3x16x1024xf32, #tpu.memory_space<vmem>> -> memref<1x16x1024xf32, #tpu.memory_space<vmem>>
      %dma_wait3A_363 = tpu.memref_squeeze %dma_wait3A_362 : memref<1x16x1024xf32, #tpu.memory_space<vmem>> -> memref<16x1024xf32, #tpu.memory_space<vmem>>
      %dma_wait3A_364 = tpu.memref_slice %arg8[%multiple_of3A_349] : memref<256xi32, #tpu.memory_space<vmem>> -> memref<16xi32, #tpu.memory_space<vmem>>
      %dma_wait3A_365 = arith.constant 0 : i32
      %dma_wait3A_366 = arith.constant 0 : i32
      %dma_wait3A_367 = tpu.memref_slice %arg5[%dma_wait3A_365, %dma_wait3A_366] : memref<2048x1024xf32, #tpu.memory_space<hbm>> -> memref<2048x1024xf32, #tpu.memory_space<hbm>>
      %dma_wait3A_368 = tpu.memref_slice %arg12[%rem3A_339] : memref<3x!tpu.dma_semaphore, #tpu.memory_space<semaphore_mem>> -> memref<1x!tpu.dma_semaphore, #tpu.memory_space<semaphore_mem>>
      %dma_wait3A_369 = tpu.memref_squeeze %dma_wait3A_368 : memref<1x!tpu.dma_semaphore, #tpu.memory_space<semaphore_mem>> -> memref<!tpu.dma_semaphore, #tpu.memory_space<semaphore_mem>>
      tpu.wait_indirect_dma semaphore(%dma_wait3A_369 : memref<!tpu.dma_semaphore, #tpu.memory_space<semaphore_mem>>) src(%dma_wait3A_367 : memref<2048x1024xf32, #tpu.memory_space<hbm>>) dst(%dma_wait3A_363 : memref<16x1024xf32, #tpu.memory_space<vmem>>)
      %sub3A_370 = arith.constant 1 : i32
      %sub3A_371 = arith.subi %scan3A_337, %sub3A_370 : i32
      %mul3A_372 = arith.constant 16 : i32
      %mul3A_373 = arith.muli %sub3A_371, %mul3A_372 : i32
      %add3A_374 = arith.addi %mul3A_32, %mul3A_373 : i32
      %multiple_of3A_375 = tpu.assume_multiple %add3A_374, 8 : i32
      %dma_wait3A_376 = arith.constant 0 : i32
      %dma_wait3A_377 = arith.constant 0 : i32
      %dma_wait3A_378 = tpu.memref_slice %arg9[%rem3A_343, %dma_wait3A_376, %dma_wait3A_377] : memref<3x16x1024xf32, #tpu.memory_space<vmem>> -> memref<1x16x1024xf32, #tpu.memory_space<vmem>>
      %dma_wait3A_379 = tpu.memref_squeeze %dma_wait3A_378 : memref<1x16x1024xf32, #tpu.memory_space<vmem>> -> memref<16x1024xf32, #tpu.memory_space<vmem>>
      %dma_wait3A_380 = arith.constant 0 : i32
      %dma_wait3A_381 = tpu.memref_slice %arg6[%select_n3A, %multiple_of3A_375, %dma_wait3A_380] : memref<4x2048x1024xf32, #tpu.memory_space<hbm>> -> memref<1x16x1024xf32, #tpu.memory_space<hbm>>
      %dma_wait3A_382 = tpu.memref_squeeze %dma_wait3A_381 : memref<1x16x1024xf32, #tpu.memory_space<hbm>> -> memref<16x1024xf32, #tpu.memory_space<hbm>>
      %dma_wait3A_383 = tpu.memref_slice %arg13[%rem3A_343] : memref<3x!tpu.dma_semaphore, #tpu.memory_space<semaphore_mem>> -> memref<1x!tpu.dma_semaphore, #tpu.memory_space<semaphore_mem>>
      %dma_wait3A_384 = tpu.memref_squeeze %dma_wait3A_383 : memref<1x!tpu.dma_semaphore, #tpu.memory_space<semaphore_mem>> -> memref<!tpu.dma_semaphore, #tpu.memory_space<semaphore_mem>>
      %dma_wait3A_385 = arith.constant 0 : i32
      %dma_wait3A_386 = tpu.memref_slice %arg6[%select_n3A, %multiple_of3A_375, %dma_wait3A_385] : memref<4x2048x1024xf32, #tpu.memory_space<hbm>> -> memref<1x16x1024xf32, #tpu.memory_space<hbm>>
      %dma_wait3A_387 = tpu.memref_squeeze %dma_wait3A_386 : memref<1x16x1024xf32, #tpu.memory_space<hbm>> -> memref<16x1024xf32, #tpu.memory_space<hbm>>
      %dma_wait3A_388 = arith.constant 0 : i32
      %dma_wait3A_389 = arith.constant 0 : i32
      %dma_wait3A_390 = tpu.memref_slice %arg9[%rem3A_343, %dma_wait3A_388, %dma_wait3A_389] : memref<3x16x1024xf32, #tpu.memory_space<vmem>> -> memref<1x16x1024xf32, #tpu.memory_space<vmem>>
      %dma_wait3A_391 = tpu.memref_squeeze %dma_wait3A_390 : memref<1x16x1024xf32, #tpu.memory_space<vmem>> -> memref<16x1024xf32, #tpu.memory_space<vmem>>
      tpu.wait_dma2 semaphore(%dma_wait3A_384 : memref<!tpu.dma_semaphore, #tpu.memory_space<semaphore_mem>>) src(%dma_wait3A_391 : memref<16x1024xf32, #tpu.memory_space<vmem>>) dst(%dma_wait3A_387 : memref<16x1024xf32, #tpu.memory_space<hbm>>)
      %parallel_loop3A_392 = arith.constant 0 : i32
      %parallel_loop3A_393 = arith.constant 1024 : i32
      %parallel_loop3A_394 = arith.constant 1 : i32
      scf.for %parallel_loop3A_445 = %parallel_loop3A_392 to %parallel_loop3A_393 step %parallel_loop3A_394  : i32 {
        %parallel_loop3A_446 = arith.constant 6 : i32
        %parallel_loop3A_447 = arith.shrsi %parallel_loop3A_445, %parallel_loop3A_446 : i32
        %parallel_loop3A_448 = arith.constant 63 : i32
        %parallel_loop3A_449 = arith.andi %parallel_loop3A_445, %parallel_loop3A_448 : i32
        %parallel_loop3A_450 = arith.constant 4 : i32
        %parallel_loop3A_451 = arith.shli %parallel_loop3A_449, %parallel_loop3A_450 : i32
        %parallel_loop3A_452 = tpu.assume_multiple %parallel_loop3A_451, 16 : i32
        %parallel_loop3A_453 = arith.index_cast %rem3A_339 : i32 to index
        %parallel_loop3A_454 = arith.index_cast %parallel_loop3A_447 : i32 to index
        %parallel_loop3A_455 = arith.index_cast %parallel_loop3A_452 : i32 to index
        %parallel_loop3A_456 = tpu.vector_load %arg10[%parallel_loop3A_453, %parallel_loop3A_454, %parallel_loop3A_455] {strides = array<i32>} : memref<3x16x1024xf32, #tpu.memory_space<vmem>>, vector<1x1x16xf32>,
        %parallel_loop3A_457 = vector.shape_cast %parallel_loop3A_456 : vector<1x1x16xf32> to vector<16xf32>
        %parallel_loop3A_458 = arith.index_cast %rem3A_339 : i32 to index
        %parallel_loop3A_459 = arith.index_cast %parallel_loop3A_447 : i32 to index
        %parallel_loop3A_460 = arith.index_cast %parallel_loop3A_452 : i32 to index
        %parallel_loop3A_461 = tpu.vector_load %arg9[%parallel_loop3A_458, %parallel_loop3A_459, %parallel_loop3A_460] {strides = array<i32>} : memref<3x16x1024xf32, #tpu.memory_space<vmem>>, vector<1x1x16xf32>,
        %parallel_loop3A_462 = vector.shape_cast %parallel_loop3A_461 : vector<1x1x16xf32> to vector<16xf32>
        %parallel_loop3A_463 = vector.shape_cast %parallel_loop3A_457 : vector<16xf32> to vector<1x1x16xf32>
        tpu.vector_store %arg9[%parallel_loop3A_458, %parallel_loop3A_459, %parallel_loop3A_460], %parallel_loop3A_463 {add = true, strides = array<i32>} : memref<3x16x1024xf32, #tpu.memory_space<vmem>>, vector<1x1x16xf32>,
      } {sc.loop_unroll_factor = 16 : i64, sc.parallel_access}
      %add3A_395 = arith.constant 3 : i32
      %add3A_396 = arith.addi %scan3A_337, %add3A_395 : i32
      %sub3A_397 = arith.constant 1 : i32
      %sub3A_398 = arith.subi %add3A_396, %sub3A_397 : i32
      %mul3A_399 = arith.constant 16 : i32
      %mul3A_400 = arith.muli %sub3A_398, %mul3A_399 : i32
      %multiple_of3A_401 = tpu.assume_multiple %mul3A_400, 8 : i32
      %mul3A_402 = arith.constant 16 : i32
      %mul3A_403 = arith.muli %sub3A_398, %mul3A_402 : i32
      %multiple_of3A_404 = tpu.assume_multiple %mul3A_403, 8 : i32
      %dma_start3A_405 = arith.constant 0 : i32
      %dma_start3A_406 = arith.constant 0 : i32
      %dma_start3A_407 = tpu.memref_slice %arg9[%rem3A_343, %dma_start3A_405, %dma_start3A_406] : memref<3x16x1024xf32, #tpu.memory_space<vmem>> -> memref<1x16x1024xf32, #tpu.memory_space<vmem>>
      %dma_start3A_408 = tpu.memref_squeeze %dma_start3A_407 : memref<1x16x1024xf32, #tpu.memory_space<vmem>> -> memref<16x1024xf32, #tpu.memory_space<vmem>>
      %dma_start3A_409 = tpu.memref_slice %arg7[%multiple_of3A_401] : memref<256xi32, #tpu.memory_space<vmem>> -> memref<16xi32, #tpu.memory_space<vmem>>
      %dma_start3A_410 = arith.constant 0 : i32
      %dma_start3A_411 = arith.constant 0 : i32
      %dma_start3A_412 = tpu.memref_slice %arg4[%dma_start3A_410, %dma_start3A_411] : memref<100000x1024xf32, #tpu.memory_space<hbm>> -> memref<100000x1024xf32, #tpu.memory_space<hbm>>
      %dma_start3A_413 = tpu.memref_slice %arg11[%rem3A_343] : memref<3x!tpu.dma_semaphore, #tpu.memory_space<semaphore_mem>> -> memref<1x!tpu.dma_semaphore, #tpu.memory_space<semaphore_mem>>
      %dma_start3A_414 = tpu.memref_squeeze %dma_start3A_413 : memref<1x!tpu.dma_semaphore, #tpu.memory_space<semaphore_mem>> -> memref<!tpu.dma_semaphore, #tpu.memory_space<semaphore_mem>>
      tpu.enqueue_indirect_dma source(%dma_start3A_412 : memref<100000x1024xf32, #tpu.memory_space<hbm>>) target(%dma_start3A_408 : memref<16x1024xf32, #tpu.memory_space<vmem>>) offsets(%dma_start3A_409 : memref<16xi32, #tpu.memory_space<vmem>>) semaphore(%dma_start3A_414 : memref<!tpu.dma_semaphore, #tpu.memory_space<semaphore_mem>>)
      %dma_start3A_415 = arith.constant 0 : i32
      %dma_start3A_416 = arith.constant 0 : i32
      %dma_start3A_417 = tpu.memref_slice %arg10[%rem3A_343, %dma_start3A_415, %dma_start3A_416] : memref<3x16x1024xf32, #tpu.memory_space<vmem>> -> memref<1x16x1024xf32, #tpu.memory_space<vmem>>
      %dma_start3A_418 = tpu.memref_squeeze %dma_start3A_417 : memref<1x16x1024xf32, #tpu.memory_space<vmem>> -> memref<16x1024xf32, #tpu.memory_space<vmem>>
      %dma_start3A_419 = tpu.memref_slice %arg8[%multiple_of3A_404] : memref<256xi32, #tpu.memory_space<vmem>> -> memref<16xi32, #tpu.memory_space<vmem>>
      %dma_start3A_420 = arith.constant 0 : i32
      %dma_start3A_421 = arith.constant 0 : i32
      %dma_start3A_422 = tpu.memref_slice %arg5[%dma_start3A_420, %dma_start3A_421] : memref<2048x1024xf32, #tpu.memory_space<hbm>> -> memref<2048x1024xf32, #tpu.memory_space<hbm>>
      %dma_start3A_423 = tpu.memref_slice %arg12[%rem3A_343] : memref<3x!tpu.dma_semaphore, #tpu.memory_space<semaphore_mem>> -> memref<1x!tpu.dma_semaphore, #tpu.memory_space<semaphore_mem>>
      %dma_start3A_424 = tpu.memref_squeeze %dma_start3A_423 : memref<1x!tpu.dma_semaphore, #tpu.memory_space<semaphore_mem>> -> memref<!tpu.dma_semaphore, #tpu.memory_space<semaphore_mem>>
      tpu.enqueue_indirect_dma source(%dma_start3A_422 : memref<2048x1024xf32, #tpu.memory_space<hbm>>) target(%dma_start3A_418 : memref<16x1024xf32, #tpu.memory_space<vmem>>) offsets(%dma_start3A_419 : memref<16xi32, #tpu.memory_space<vmem>>) semaphore(%dma_start3A_424 : memref<!tpu.dma_semaphore, #tpu.memory_space<semaphore_mem>>)
      %mul3A_425 = arith.constant 16 : i32
      %mul3A_426 = arith.muli %scan3A_337, %mul3A_425 : i32
      %add3A_427 = arith.addi %mul3A_32, %mul3A_426 : i32
      %multiple_of3A_428 = tpu.assume_multiple %add3A_427, 8 : i32
      %dma_start3A_429 = arith.constant 0 : i32
      %dma_start3A_430 = arith.constant 0 : i32
      %dma_start3A_431 = tpu.memref_slice %arg9[%rem3A_339, %dma_start3A_429, %dma_start3A_430] : memref<3x16x1024xf32, #tpu.memory_space<vmem>> -> memref<1x16x1024xf32, #tpu.memory_space<vmem>>
      %dma_start3A_432 = tpu.memref_squeeze %dma_start3A_431 : memref<1x16x1024xf32, #tpu.memory_space<vmem>> -> memref<16x1024xf32, #tpu.memory_space<vmem>>
      %dma_start3A_433 = arith.constant 0 : i32
      %dma_start3A_434 = tpu.memref_slice %arg6[%select_n3A, %multiple_of3A_428, %dma_start3A_433] : memref<4x2048x1024xf32, #tpu.memory_space<hbm>> -> memref<1x16x1024xf32, #tpu.memory_space<hbm>>
      %dma_start3A_435 = tpu.memref_squeeze %dma_start3A_434 : memref<1x16x1024xf32, #tpu.memory_space<hbm>> -> memref<16x1024xf32, #tpu.memory_space<hbm>>
      %dma_start3A_436 = tpu.memref_slice %arg13[%rem3A_339] : memref<3x!tpu.dma_semaphore, #tpu.memory_space<semaphore_mem>> -> memref<1x!tpu.dma_semaphore, #tpu.memory_space<semaphore_mem>>
      %dma_start3A_437 = tpu.memref_squeeze %dma_start3A_436 : memref<1x!tpu.dma_semaphore, #tpu.memory_space<semaphore_mem>> -> memref<!tpu.dma_semaphore, #tpu.memory_space<semaphore_mem>>
      %dma_start3A_438 = arith.constant 0 : i32
      %dma_start3A_439 = tpu.memref_slice %arg6[%select_n3A, %multiple_of3A_428, %dma_start3A_438] : memref<4x2048x1024xf32, #tpu.memory_space<hbm>> -> memref<1x16x1024xf32, #tpu.memory_space<hbm>>
      %dma_start3A_440 = tpu.memref_squeeze %dma_start3A_439 : memref<1x16x1024xf32, #tpu.memory_space<hbm>> -> memref<16x1024xf32, #tpu.memory_space<hbm>>
      %dma_start3A_441 = arith.constant 0 : i32
      %dma_start3A_442 = arith.constant 0 : i32
      %dma_start3A_443 = tpu.memref_slice %arg9[%rem3A_339, %dma_start3A_441, %dma_start3A_442] : memref<3x16x1024xf32, #tpu.memory_space<vmem>> -> memref<1x16x1024xf32, #tpu.memory_space<vmem>>
      %dma_start3A_444 = tpu.memref_squeeze %dma_start3A_443 : memref<1x16x1024xf32, #tpu.memory_space<vmem>> -> memref<16x1024xf32, #tpu.memory_space<vmem>>
      tpu.enqueue_dma source(%dma_start3A_444 : memref<16x1024xf32, #tpu.memory_space<vmem>>) target(%dma_start3A_440 : memref<16x1024xf32, #tpu.memory_space<hbm>>) target_semaphore(%dma_start3A_437 : memref<!tpu.dma_semaphore, #tpu.memory_space<semaphore_mem>>)
    }
    %scan3A_169 = arith.constant 13 : i32
    %multiple_of3A_170 = arith.constant 224 : i32
    %multiple_of3A_171 = tpu.assume_multiple %multiple_of3A_170, 8 : i32
    %multiple_of3A_172 = arith.constant 224 : i32
    %multiple_of3A_173 = tpu.assume_multiple %multiple_of3A_172, 8 : i32
    %dma_wait3A_174 = arith.constant 2 : i32
    %dma_wait3A_175 = arith.constant 2 : i32
    %dma_wait3A_176 = arith.constant 0 : i32
    %dma_wait3A_177 = arith.constant 0 : i32
    %dma_wait3A_178 = tpu.memref_slice %arg9[%dma_wait3A_174, %dma_wait3A_176, %dma_wait3A_177] : memref<3x16x1024xf32, #tpu.memory_space<vmem>> -> memref<1x16x1024xf32, #tpu.memory_space<vmem>>
    %dma_wait3A_179 = tpu.memref_squeeze %dma_wait3A_178 : memref<1x16x1024xf32, #tpu.memory_space<vmem>> -> memref<16x1024xf32, #tpu.memory_space<vmem>>
    %dma_wait3A_180 = tpu.memref_slice %arg7[%multiple_of3A_171] : memref<256xi32, #tpu.memory_space<vmem>> -> memref<16xi32, #tpu.memory_space<vmem>>
    %dma_wait3A_181 = arith.constant 0 : i32
    %dma_wait3A_182 = arith.constant 0 : i32
    %dma_wait3A_183 = tpu.memref_slice %arg4[%dma_wait3A_181, %dma_wait3A_182] : memref<100000x1024xf32, #tpu.memory_space<hbm>> -> memref<100000x1024xf32, #tpu.memory_space<hbm>>
    %dma_wait3A_184 = tpu.memref_slice %arg11[%dma_wait3A_175] : memref<3x!tpu.dma_semaphore, #tpu.memory_space<semaphore_mem>> -> memref<1x!tpu.dma_semaphore, #tpu.memory_space<semaphore_mem>>
    %dma_wait3A_185 = tpu.memref_squeeze %dma_wait3A_184 : memref<1x!tpu.dma_semaphore, #tpu.memory_space<semaphore_mem>> -> memref<!tpu.dma_semaphore, #tpu.memory_space<semaphore_mem>>
    tpu.wait_indirect_dma semaphore(%dma_wait3A_185 : memref<!tpu.dma_semaphore, #tpu.memory_space<semaphore_mem>>) src(%dma_wait3A_183 : memref<100000x1024xf32, #tpu.memory_space<hbm>>) dst(%dma_wait3A_179 : memref<16x1024xf32, #tpu.memory_space<vmem>>)
    %dma_wait3A_186 = arith.constant 2 : i32
    %dma_wait3A_187 = arith.constant 2 : i32
    %dma_wait3A_188 = arith.constant 0 : i32
    %dma_wait3A_189 = arith.constant 0 : i32
    %dma_wait3A_190 = tpu.memref_slice %arg10[%dma_wait3A_186, %dma_wait3A_188, %dma_wait3A_189] : memref<3x16x1024xf32, #tpu.memory_space<vmem>> -> memref<1x16x1024xf32, #tpu.memory_space<vmem>>
    %dma_wait3A_191 = tpu.memref_squeeze %dma_wait3A_190 : memref<1x16x1024xf32, #tpu.memory_space<vmem>> -> memref<16x1024xf32, #tpu.memory_space<vmem>>
    %dma_wait3A_192 = tpu.memref_slice %arg8[%multiple_of3A_173] : memref<256xi32, #tpu.memory_space<vmem>> -> memref<16xi32, #tpu.memory_space<vmem>>
    %dma_wait3A_193 = arith.constant 0 : i32
    %dma_wait3A_194 = arith.constant 0 : i32
    %dma_wait3A_195 = tpu.memref_slice %arg5[%dma_wait3A_193, %dma_wait3A_194] : memref<2048x1024xf32, #tpu.memory_space<hbm>> -> memref<2048x1024xf32, #tpu.memory_space<hbm>>
    %dma_wait3A_196 = tpu.memref_slice %arg12[%dma_wait3A_187] : memref<3x!tpu.dma_semaphore, #tpu.memory_space<semaphore_mem>> -> memref<1x!tpu.dma_semaphore, #tpu.memory_space<semaphore_mem>>
    %dma_wait3A_197 = tpu.memref_squeeze %dma_wait3A_196 : memref<1x!tpu.dma_semaphore, #tpu.memory_space<semaphore_mem>> -> memref<!tpu.dma_semaphore, #tpu.memory_space<semaphore_mem>>
    tpu.wait_indirect_dma semaphore(%dma_wait3A_197 : memref<!tpu.dma_semaphore, #tpu.memory_space<semaphore_mem>>) src(%dma_wait3A_195 : memref<2048x1024xf32, #tpu.memory_space<hbm>>) dst(%dma_wait3A_191 : memref<16x1024xf32, #tpu.memory_space<vmem>>)
    %parallel_loop3A_198 = arith.constant 0 : i32
    %parallel_loop3A_199 = arith.constant 1024 : i32
    %parallel_loop3A_200 = arith.constant 1 : i32
    scf.for %parallel_loop3A_337 = %parallel_loop3A_198 to %parallel_loop3A_199 step %parallel_loop3A_200  : i32 {
      %parallel_loop3A_338 = arith.constant 6 : i32
      %parallel_loop3A_339 = arith.shrsi %parallel_loop3A_337, %parallel_loop3A_338 : i32
      %parallel_loop3A_340 = arith.constant 63 : i32
      %parallel_loop3A_341 = arith.andi %parallel_loop3A_337, %parallel_loop3A_340 : i32
      %parallel_loop3A_342 = arith.constant 4 : i32
      %parallel_loop3A_343 = arith.shli %parallel_loop3A_341, %parallel_loop3A_342 : i32
      %parallel_loop3A_344 = tpu.assume_multiple %parallel_loop3A_343, 16 : i32
      %parallel_loop3A_345 = arith.constant 2 : i32
      %parallel_loop3A_346 = arith.index_cast %parallel_loop3A_345 : i32 to index
      %parallel_loop3A_347 = arith.index_cast %parallel_loop3A_339 : i32 to index
      %parallel_loop3A_348 = arith.index_cast %parallel_loop3A_344 : i32 to index
      %parallel_loop3A_349 = tpu.vector_load %arg10[%parallel_loop3A_346, %parallel_loop3A_347, %parallel_loop3A_348] {strides = array<i32>} : memref<3x16x1024xf32, #tpu.memory_space<vmem>>, vector<1x1x16xf32>,
      %parallel_loop3A_350 = vector.shape_cast %parallel_loop3A_349 : vector<1x1x16xf32> to vector<16xf32>
      %parallel_loop3A_351 = arith.constant 2 : i32
      %parallel_loop3A_352 = arith.index_cast %parallel_loop3A_351 : i32 to index
      %parallel_loop3A_353 = arith.index_cast %parallel_loop3A_339 : i32 to index
      %parallel_loop3A_354 = arith.index_cast %parallel_loop3A_344 : i32 to index
      %parallel_loop3A_355 = tpu.vector_load %arg9[%parallel_loop3A_352, %parallel_loop3A_353, %parallel_loop3A_354] {strides = array<i32>} : memref<3x16x1024xf32, #tpu.memory_space<vmem>>, vector<1x1x16xf32>,
      %parallel_loop3A_356 = vector.shape_cast %parallel_loop3A_355 : vector<1x1x16xf32> to vector<16xf32>
      %parallel_loop3A_357 = vector.shape_cast %parallel_loop3A_350 : vector<16xf32> to vector<1x1x16xf32>
      tpu.vector_store %arg9[%parallel_loop3A_352, %parallel_loop3A_353, %parallel_loop3A_354], %parallel_loop3A_357 {add = true, strides = array<i32>} : memref<3x16x1024xf32, #tpu.memory_space<vmem>>, vector<1x1x16xf32>,
    } {sc.loop_unroll_factor = 16 : i64, sc.parallel_access}
    %add3A_201 = arith.constant 224 : i32
    %add3A_202 = arith.addi %mul3A_32, %add3A_201 : i32
    %multiple_of3A_203 = tpu.assume_multiple %add3A_202, 8 : i32
    %dma_start3A_204 = arith.constant 2 : i32
    %dma_start3A_205 = arith.constant 2 : i32
    %dma_start3A_206 = arith.constant 0 : i32
    %dma_start3A_207 = arith.constant 0 : i32
    %dma_start3A_208 = tpu.memref_slice %arg9[%dma_start3A_204, %dma_start3A_206, %dma_start3A_207] : memref<3x16x1024xf32, #tpu.memory_space<vmem>> -> memref<1x16x1024xf32, #tpu.memory_space<vmem>>
    %dma_start3A_209 = tpu.memref_squeeze %dma_start3A_208 : memref<1x16x1024xf32, #tpu.memory_space<vmem>> -> memref<16x1024xf32, #tpu.memory_space<vmem>>
    %dma_start3A_210 = arith.constant 0 : i32
    %dma_start3A_211 = tpu.memref_slice %arg6[%select_n3A, %multiple_of3A_203, %dma_start3A_210] : memref<4x2048x1024xf32, #tpu.memory_space<hbm>> -> memref<1x16x1024xf32, #tpu.memory_space<hbm>>
    %dma_start3A_212 = tpu.memref_squeeze %dma_start3A_211 : memref<1x16x1024xf32, #tpu.memory_space<hbm>> -> memref<16x1024xf32, #tpu.memory_space<hbm>>
    %dma_start3A_213 = tpu.memref_slice %arg13[%dma_start3A_205] : memref<3x!tpu.dma_semaphore, #tpu.memory_space<semaphore_mem>> -> memref<1x!tpu.dma_semaphore, #tpu.memory_space<semaphore_mem>>
    %dma_start3A_214 = tpu.memref_squeeze %dma_start3A_213 : memref<1x!tpu.dma_semaphore, #tpu.memory_space<semaphore_mem>> -> memref<!tpu.dma_semaphore, #tpu.memory_space<semaphore_mem>>
    %dma_start3A_215 = arith.constant 0 : i32
    %dma_start3A_216 = tpu.memref_slice %arg6[%select_n3A, %multiple_of3A_203, %dma_start3A_215] : memref<4x2048x1024xf32, #tpu.memory_space<hbm>> -> memref<1x16x1024xf32, #tpu.memory_space<hbm>>
    %dma_start3A_217 = tpu.memref_squeeze %dma_start3A_216 : memref<1x16x1024xf32, #tpu.memory_space<hbm>> -> memref<16x1024xf32, #tpu.memory_space<hbm>>
    %dma_start3A_218 = arith.constant 0 : i32
    %dma_start3A_219 = arith.constant 0 : i32
    %dma_start3A_220 = tpu.memref_slice %arg9[%dma_start3A_204, %dma_start3A_218, %dma_start3A_219] : memref<3x16x1024xf32, #tpu.memory_space<vmem>> -> memref<1x16x1024xf32, #tpu.memory_space<vmem>>
    %dma_start3A_221 = tpu.memref_squeeze %dma_start3A_220 : memref<1x16x1024xf32, #tpu.memory_space<vmem>> -> memref<16x1024xf32, #tpu.memory_space<vmem>>
    tpu.enqueue_dma source(%dma_start3A_221 : memref<16x1024xf32, #tpu.memory_space<vmem>>) target(%dma_start3A_217 : memref<16x1024xf32, #tpu.memory_space<hbm>>) target_semaphore(%dma_start3A_214 : memref<!tpu.dma_semaphore, #tpu.memory_space<semaphore_mem>>)
    %multiple_of3A_222 = arith.constant 240 : i32
    %multiple_of3A_223 = tpu.assume_multiple %multiple_of3A_222, 8 : i32
    %multiple_of3A_224 = arith.constant 240 : i32
    %multiple_of3A_225 = tpu.assume_multiple %multiple_of3A_224, 8 : i32
    %dma_wait3A_226 = arith.constant 0 : i32
    %dma_wait3A_227 = arith.constant 0 : i32
    %dma_wait3A_228 = arith.constant 0 : i32
    %dma_wait3A_229 = arith.constant 0 : i32
    %dma_wait3A_230 = tpu.memref_slice %arg9[%dma_wait3A_226, %dma_wait3A_228, %dma_wait3A_229] : memref<3x16x1024xf32, #tpu.memory_space<vmem>> -> memref<1x16x1024xf32, #tpu.memory_space<vmem>>
    %dma_wait3A_231 = tpu.memref_squeeze %dma_wait3A_230 : memref<1x16x1024xf32, #tpu.memory_space<vmem>> -> memref<16x1024xf32, #tpu.memory_space<vmem>>
    %dma_wait3A_232 = tpu.memref_slice %arg7[%multiple_of3A_223] : memref<256xi32, #tpu.memory_space<vmem>> -> memref<16xi32, #tpu.memory_space<vmem>>
    %dma_wait3A_233 = arith.constant 0 : i32
    %dma_wait3A_234 = arith.constant 0 : i32
    %dma_wait3A_235 = tpu.memref_slice %arg4[%dma_wait3A_233, %dma_wait3A_234] : memref<100000x1024xf32, #tpu.memory_space<hbm>> -> memref<100000x1024xf32, #tpu.memory_space<hbm>>
    %dma_wait3A_236 = tpu.memref_slice %arg11[%dma_wait3A_227] : memref<3x!tpu.dma_semaphore, #tpu.memory_space<semaphore_mem>> -> memref<1x!tpu.dma_semaphore, #tpu.memory_space<semaphore_mem>>
    %dma_wait3A_237 = tpu.memref_squeeze %dma_wait3A_236 : memref<1x!tpu.dma_semaphore, #tpu.memory_space<semaphore_mem>> -> memref<!tpu.dma_semaphore, #tpu.memory_space<semaphore_mem>>
    tpu.wait_indirect_dma semaphore(%dma_wait3A_237 : memref<!tpu.dma_semaphore, #tpu.memory_space<semaphore_mem>>) src(%dma_wait3A_235 : memref<100000x1024xf32, #tpu.memory_space<hbm>>) dst(%dma_wait3A_231 : memref<16x1024xf32, #tpu.memory_space<vmem>>)
    %dma_wait3A_238 = arith.constant 0 : i32
    %dma_wait3A_239 = arith.constant 0 : i32
    %dma_wait3A_240 = arith.constant 0 : i32
    %dma_wait3A_241 = arith.constant 0 : i32
    %dma_wait3A_242 = tpu.memref_slice %arg10[%dma_wait3A_238, %dma_wait3A_240, %dma_wait3A_241] : memref<3x16x1024xf32, #tpu.memory_space<vmem>> -> memref<1x16x1024xf32, #tpu.memory_space<vmem>>
    %dma_wait3A_243 = tpu.memref_squeeze %dma_wait3A_242 : memref<1x16x1024xf32, #tpu.memory_space<vmem>> -> memref<16x1024xf32, #tpu.memory_space<vmem>>
    %dma_wait3A_244 = tpu.memref_slice %arg8[%multiple_of3A_225] : memref<256xi32, #tpu.memory_space<vmem>> -> memref<16xi32, #tpu.memory_space<vmem>>
    %dma_wait3A_245 = arith.constant 0 : i32
    %dma_wait3A_246 = arith.constant 0 : i32
    %dma_wait3A_247 = tpu.memref_slice %arg5[%dma_wait3A_245, %dma_wait3A_246] : memref<2048x1024xf32, #tpu.memory_space<hbm>> -> memref<2048x1024xf32, #tpu.memory_space<hbm>>
    %dma_wait3A_248 = tpu.memref_slice %arg12[%dma_wait3A_239] : memref<3x!tpu.dma_semaphore, #tpu.memory_space<semaphore_mem>> -> memref<1x!tpu.dma_semaphore, #tpu.memory_space<semaphore_mem>>
    %dma_wait3A_249 = tpu.memref_squeeze %dma_wait3A_248 : memref<1x!tpu.dma_semaphore, #tpu.memory_space<semaphore_mem>> -> memref<!tpu.dma_semaphore, #tpu.memory_space<semaphore_mem>>
    tpu.wait_indirect_dma semaphore(%dma_wait3A_249 : memref<!tpu.dma_semaphore, #tpu.memory_space<semaphore_mem>>) src(%dma_wait3A_247 : memref<2048x1024xf32, #tpu.memory_space<hbm>>) dst(%dma_wait3A_243 : memref<16x1024xf32, #tpu.memory_space<vmem>>)
    %parallel_loop3A_250 = arith.constant 0 : i32
    %parallel_loop3A_251 = arith.constant 1024 : i32
    %parallel_loop3A_252 = arith.constant 1 : i32
    scf.for %parallel_loop3A_337 = %parallel_loop3A_250 to %parallel_loop3A_251 step %parallel_loop3A_252  : i32 {
      %parallel_loop3A_338 = arith.constant 6 : i32
      %parallel_loop3A_339 = arith.shrsi %parallel_loop3A_337, %parallel_loop3A_338 : i32
      %parallel_loop3A_340 = arith.constant 63 : i32
      %parallel_loop3A_341 = arith.andi %parallel_loop3A_337, %parallel_loop3A_340 : i32
      %parallel_loop3A_342 = arith.constant 4 : i32
      %parallel_loop3A_343 = arith.shli %parallel_loop3A_341, %parallel_loop3A_342 : i32
      %parallel_loop3A_344 = tpu.assume_multiple %parallel_loop3A_343, 16 : i32
      %parallel_loop3A_345 = arith.constant 0 : i32
      %parallel_loop3A_346 = arith.index_cast %parallel_loop3A_345 : i32 to index
      %parallel_loop3A_347 = arith.index_cast %parallel_loop3A_339 : i32 to index
      %parallel_loop3A_348 = arith.index_cast %parallel_loop3A_344 : i32 to index
      %parallel_loop3A_349 = tpu.vector_load %arg10[%parallel_loop3A_346, %parallel_loop3A_347, %parallel_loop3A_348] {strides = array<i32>} : memref<3x16x1024xf32, #tpu.memory_space<vmem>>, vector<1x1x16xf32>,
      %parallel_loop3A_350 = vector.shape_cast %parallel_loop3A_349 : vector<1x1x16xf32> to vector<16xf32>
      %parallel_loop3A_351 = arith.constant 0 : i32
      %parallel_loop3A_352 = arith.index_cast %parallel_loop3A_351 : i32 to index
      %parallel_loop3A_353 = arith.index_cast %parallel_loop3A_339 : i32 to index
      %parallel_loop3A_354 = arith.index_cast %parallel_loop3A_344 : i32 to index
      %parallel_loop3A_355 = tpu.vector_load %arg9[%parallel_loop3A_352, %parallel_loop3A_353, %parallel_loop3A_354] {strides = array<i32>} : memref<3x16x1024xf32, #tpu.memory_space<vmem>>, vector<1x1x16xf32>,
      %parallel_loop3A_356 = vector.shape_cast %parallel_loop3A_355 : vector<1x1x16xf32> to vector<16xf32>
      %parallel_loop3A_357 = vector.shape_cast %parallel_loop3A_350 : vector<16xf32> to vector<1x1x16xf32>
      tpu.vector_store %arg9[%parallel_loop3A_352, %parallel_loop3A_353, %parallel_loop3A_354], %parallel_loop3A_357 {add = true, strides = array<i32>} : memref<3x16x1024xf32, #tpu.memory_space<vmem>>, vector<1x1x16xf32>,
    } {sc.loop_unroll_factor = 16 : i64, sc.parallel_access}
    %add3A_253 = arith.constant 240 : i32
    %add3A_254 = arith.addi %mul3A_32, %add3A_253 : i32
    %multiple_of3A_255 = tpu.assume_multiple %add3A_254, 8 : i32
    %dma_start3A_256 = arith.constant 0 : i32
    %dma_start3A_257 = arith.constant 0 : i32
    %dma_start3A_258 = arith.constant 0 : i32
    %dma_start3A_259 = arith.constant 0 : i32
    %dma_start3A_260 = tpu.memref_slice %arg9[%dma_start3A_256, %dma_start3A_258, %dma_start3A_259] : memref<3x16x1024xf32, #tpu.memory_space<vmem>> -> memref<1x16x1024xf32, #tpu.memory_space<vmem>>
    %dma_start3A_261 = tpu.memref_squeeze %dma_start3A_260 : memref<1x16x1024xf32, #tpu.memory_space<vmem>> -> memref<16x1024xf32, #tpu.memory_space<vmem>>
    %dma_start3A_262 = arith.constant 0 : i32
    %dma_start3A_263 = tpu.memref_slice %arg6[%select_n3A, %multiple_of3A_255, %dma_start3A_262] : memref<4x2048x1024xf32, #tpu.memory_space<hbm>> -> memref<1x16x1024xf32, #tpu.memory_space<hbm>>
    %dma_start3A_264 = tpu.memref_squeeze %dma_start3A_263 : memref<1x16x1024xf32, #tpu.memory_space<hbm>> -> memref<16x1024xf32, #tpu.memory_space<hbm>>
    %dma_start3A_265 = tpu.memref_slice %arg13[%dma_start3A_257] : memref<3x!tpu.dma_semaphore, #tpu.memory_space<semaphore_mem>> -> memref<1x!tpu.dma_semaphore, #tpu.memory_space<semaphore_mem>>
    %dma_start3A_266 = tpu.memref_squeeze %dma_start3A_265 : memref<1x!tpu.dma_semaphore, #tpu.memory_space<semaphore_mem>> -> memref<!tpu.dma_semaphore, #tpu.memory_space<semaphore_mem>>
    %dma_start3A_267 = arith.constant 0 : i32
    %dma_start3A_268 = tpu.memref_slice %arg6[%select_n3A, %multiple_of3A_255, %dma_start3A_267] : memref<4x2048x1024xf32, #tpu.memory_space<hbm>> -> memref<1x16x1024xf32, #tpu.memory_space<hbm>>
    %dma_start3A_269 = tpu.memref_squeeze %dma_start3A_268 : memref<1x16x1024xf32, #tpu.memory_space<hbm>> -> memref<16x1024xf32, #tpu.memory_space<hbm>>
    %dma_start3A_270 = arith.constant 0 : i32
    %dma_start3A_271 = arith.constant 0 : i32
    %dma_start3A_272 = tpu.memref_slice %arg9[%dma_start3A_256, %dma_start3A_270, %dma_start3A_271] : memref<3x16x1024xf32, #tpu.memory_space<vmem>> -> memref<1x16x1024xf32, #tpu.memory_space<vmem>>
    %dma_start3A_273 = tpu.memref_squeeze %dma_start3A_272 : memref<1x16x1024xf32, #tpu.memory_space<vmem>> -> memref<16x1024xf32, #tpu.memory_space<vmem>>
    tpu.enqueue_dma source(%dma_start3A_273 : memref<16x1024xf32, #tpu.memory_space<vmem>>) target(%dma_start3A_269 : memref<16x1024xf32, #tpu.memory_space<hbm>>) target_semaphore(%dma_start3A_266 : memref<!tpu.dma_semaphore, #tpu.memory_space<semaphore_mem>>)
    %add3A_274 = arith.constant 208 : i32
    %add3A_275 = arith.addi %mul3A_32, %add3A_274 : i32
    %multiple_of3A_276 = tpu.assume_multiple %add3A_275, 8 : i32
    %dma_wait3A_277 = arith.constant 1 : i32
    %dma_wait3A_278 = arith.constant 1 : i32
    %dma_wait3A_279 = arith.constant 0 : i32
    %dma_wait3A_280 = arith.constant 0 : i32
    %dma_wait3A_281 = tpu.memref_slice %arg9[%dma_wait3A_277, %dma_wait3A_279, %dma_wait3A_280] : memref<3x16x1024xf32, #tpu.memory_space<vmem>> -> memref<1x16x1024xf32, #tpu.memory_space<vmem>>
    %dma_wait3A_282 = tpu.memref_squeeze %dma_wait3A_281 : memref<1x16x1024xf32, #tpu.memory_space<vmem>> -> memref<16x1024xf32, #tpu.memory_space<vmem>>
    %dma_wait3A_283 = arith.constant 0 : i32
    %dma_wait3A_284 = tpu.memref_slice %arg6[%select_n3A, %multiple_of3A_276, %dma_wait3A_283] : memref<4x2048x1024xf32, #tpu.memory_space<hbm>> -> memref<1x16x1024xf32, #tpu.memory_space<hbm>>
    %dma_wait3A_285 = tpu.memref_squeeze %dma_wait3A_284 : memref<1x16x1024xf32, #tpu.memory_space<hbm>> -> memref<16x1024xf32, #tpu.memory_space<hbm>>
    %dma_wait3A_286 = tpu.memref_slice %arg13[%dma_wait3A_278] : memref<3x!tpu.dma_semaphore, #tpu.memory_space<semaphore_mem>> -> memref<1x!tpu.dma_semaphore, #tpu.memory_space<semaphore_mem>>
    %dma_wait3A_287 = tpu.memref_squeeze %dma_wait3A_286 : memref<1x!tpu.dma_semaphore, #tpu.memory_space<semaphore_mem>> -> memref<!tpu.dma_semaphore, #tpu.memory_space<semaphore_mem>>
    %dma_wait3A_288 = arith.constant 0 : i32
    %dma_wait3A_289 = tpu.memref_slice %arg6[%select_n3A, %multiple_of3A_276, %dma_wait3A_288] : memref<4x2048x1024xf32, #tpu.memory_space<hbm>> -> memref<1x16x1024xf32, #tpu.memory_space<hbm>>
    %dma_wait3A_290 = tpu.memref_squeeze %dma_wait3A_289 : memref<1x16x1024xf32, #tpu.memory_space<hbm>> -> memref<16x1024xf32, #tpu.memory_space<hbm>>
    %dma_wait3A_291 = arith.constant 0 : i32
    %dma_wait3A_292 = arith.constant 0 : i32
    %dma_wait3A_293 = tpu.memref_slice %arg9[%dma_wait3A_277, %dma_wait3A_291, %dma_wait3A_292] : memref<3x16x1024xf32, #tpu.memory_space<vmem>> -> memref<1x16x1024xf32, #tpu.memory_space<vmem>>
    %dma_wait3A_294 = tpu.memref_squeeze %dma_wait3A_293 : memref<1x16x1024xf32, #tpu.memory_space<vmem>> -> memref<16x1024xf32, #tpu.memory_space<vmem>>
    tpu.wait_dma2 semaphore(%dma_wait3A_287 : memref<!tpu.dma_semaphore, #tpu.memory_space<semaphore_mem>>) src(%dma_wait3A_294 : memref<16x1024xf32, #tpu.memory_space<vmem>>) dst(%dma_wait3A_290 : memref<16x1024xf32, #tpu.memory_space<hbm>>)
    %add3A_295 = arith.constant 224 : i32
    %add3A_296 = arith.addi %mul3A_32, %add3A_295 : i32
    %multiple_of3A_297 = tpu.assume_multiple %add3A_296, 8 : i32
    %dma_wait3A_298 = arith.constant 2 : i32
    %dma_wait3A_299 = arith.constant 2 : i32
    %dma_wait3A_300 = arith.constant 0 : i32
    %dma_wait3A_301 = arith.constant 0 : i32
    %dma_wait3A_302 = tpu.memref_slice %arg9[%dma_wait3A_298, %dma_wait3A_300, %dma_wait3A_301] : memref<3x16x1024xf32, #tpu.memory_space<vmem>> -> memref<1x16x1024xf32, #tpu.memory_space<vmem>>
    %dma_wait3A_303 = tpu.memref_squeeze %dma_wait3A_302 : memref<1x16x1024xf32, #tpu.memory_space<vmem>> -> memref<16x1024xf32, #tpu.memory_space<vmem>>
    %dma_wait3A_304 = arith.constant 0 : i32
    %dma_wait3A_305 = tpu.memref_slice %arg6[%select_n3A, %multiple_of3A_297, %dma_wait3A_304] : memref<4x2048x1024xf32, #tpu.memory_space<hbm>> -> memref<1x16x1024xf32, #tpu.memory_space<hbm>>
    %dma_wait3A_306 = tpu.memref_squeeze %dma_wait3A_305 : memref<1x16x1024xf32, #tpu.memory_space<hbm>> -> memref<16x1024xf32, #tpu.memory_space<hbm>>
    %dma_wait3A_307 = tpu.memref_slice %arg13[%dma_wait3A_299] : memref<3x!tpu.dma_semaphore, #tpu.memory_space<semaphore_mem>> -> memref<1x!tpu.dma_semaphore, #tpu.memory_space<semaphore_mem>>
    %dma_wait3A_308 = tpu.memref_squeeze %dma_wait3A_307 : memref<1x!tpu.dma_semaphore, #tpu.memory_space<semaphore_mem>> -> memref<!tpu.dma_semaphore, #tpu.memory_space<semaphore_mem>>
    %dma_wait3A_309 = arith.constant 0 : i32
    %dma_wait3A_310 = tpu.memref_slice %arg6[%select_n3A, %multiple_of3A_297, %dma_wait3A_309] : memref<4x2048x1024xf32, #tpu.memory_space<hbm>> -> memref<1x16x1024xf32, #tpu.memory_space<hbm>>
    %dma_wait3A_311 = tpu.memref_squeeze %dma_wait3A_310 : memref<1x16x1024xf32, #tpu.memory_space<hbm>> -> memref<16x1024xf32, #tpu.memory_space<hbm>>
    %dma_wait3A_312 = arith.constant 0 : i32
    %dma_wait3A_313 = arith.constant 0 : i32
    %dma_wait3A_314 = tpu.memref_slice %arg9[%dma_wait3A_298, %dma_wait3A_312, %dma_wait3A_313] : memref<3x16x1024xf32, #tpu.memory_space<vmem>> -> memref<1x16x1024xf32, #tpu.memory_space<vmem>>
    %dma_wait3A_315 = tpu.memref_squeeze %dma_wait3A_314 : memref<1x16x1024xf32, #tpu.memory_space<vmem>> -> memref<16x1024xf32, #tpu.memory_space<vmem>>
    tpu.wait_dma2 semaphore(%dma_wait3A_308 : memref<!tpu.dma_semaphore, #tpu.memory_space<semaphore_mem>>) src(%dma_wait3A_315 : memref<16x1024xf32, #tpu.memory_space<vmem>>) dst(%dma_wait3A_311 : memref<16x1024xf32, #tpu.memory_space<hbm>>)
    %add3A_316 = arith.constant 240 : i32
    %add3A_317 = arith.addi %mul3A_32, %add3A_316 : i32
    %multiple_of3A_318 = tpu.assume_multiple %add3A_317, 8 : i32
    %dma_wait3A_319 = arith.constant 0 : i32
    %dma_wait3A_320 = arith.constant 0 : i32
    %dma_wait3A_321 = arith.constant 0 : i32
    %dma_wait3A_322 = arith.constant 0 : i32
    %dma_wait3A_323 = tpu.memref_slice %arg9[%dma_wait3A_319, %dma_wait3A_321, %dma_wait3A_322] : memref<3x16x1024xf32, #tpu.memory_space<vmem>> -> memref<1x16x1024xf32, #tpu.memory_space<vmem>>
    %dma_wait3A_324 = tpu.memref_squeeze %dma_wait3A_323 : memref<1x16x1024xf32, #tpu.memory_space<vmem>> -> memref<16x1024xf32, #tpu.memory_space<vmem>>
    %dma_wait3A_325 = arith.constant 0 : i32
    %dma_wait3A_326 = tpu.memref_slice %arg6[%select_n3A, %multiple_of3A_318, %dma_wait3A_325] : memref<4x2048x1024xf32, #tpu.memory_space<hbm>> -> memref<1x16x1024xf32, #tpu.memory_space<hbm>>
    %dma_wait3A_327 = tpu.memref_squeeze %dma_wait3A_326 : memref<1x16x1024xf32, #tpu.memory_space<hbm>> -> memref<16x1024xf32, #tpu.memory_space<hbm>>
    %dma_wait3A_328 = tpu.memref_slice %arg13[%dma_wait3A_320] : memref<3x!tpu.dma_semaphore, #tpu.memory_space<semaphore_mem>> -> memref<1x!tpu.dma_semaphore, #tpu.memory_space<semaphore_mem>>
    %dma_wait3A_329 = tpu.memref_squeeze %dma_wait3A_328 : memref<1x!tpu.dma_semaphore, #tpu.memory_space<semaphore_mem>> -> memref<!tpu.dma_semaphore, #tpu.memory_space<semaphore_mem>>
    %dma_wait3A_330 = arith.constant 0 : i32
    %dma_wait3A_331 = tpu.memref_slice %arg6[%select_n3A, %multiple_of3A_318, %dma_wait3A_330] : memref<4x2048x1024xf32, #tpu.memory_space<hbm>> -> memref<1x16x1024xf32, #tpu.memory_space<hbm>>
    %dma_wait3A_332 = tpu.memref_squeeze %dma_wait3A_331 : memref<1x16x1024xf32, #tpu.memory_space<hbm>> -> memref<16x1024xf32, #tpu.memory_space<hbm>>
    %dma_wait3A_333 = arith.constant 0 : i32
    %dma_wait3A_334 = arith.constant 0 : i32
    %dma_wait3A_335 = tpu.memref_slice %arg9[%dma_wait3A_319, %dma_wait3A_333, %dma_wait3A_334] : memref<3x16x1024xf32, #tpu.memory_space<vmem>> -> memref<1x16x1024xf32, #tpu.memory_space<vmem>>
    %dma_wait3A_336 = tpu.memref_squeeze %dma_wait3A_335 : memref<1x16x1024xf32, #tpu.memory_space<vmem>> -> memref<16x1024xf32, #tpu.memory_space<vmem>>
    tpu.wait_dma2 semaphore(%dma_wait3A_329 : memref<!tpu.dma_semaphore, #tpu.memory_space<semaphore_mem>>) src(%dma_wait3A_336 : memref<16x1024xf32, #tpu.memory_space<vmem>>) dst(%dma_wait3A_332 : memref<16x1024xf32, #tpu.memory_space<hbm>>)
    return
  }
}

</mosaic_0001>

<sc_bundles>
// kernel: kernel.3.cloned.1.call-start
scs
__scs_entry_jumppad:
0x0: {  	(pc) =	sbr.rel $0x88, $3  }
0x1: {  	(tag) =	ssettag $0x0;
	lr =	simm.s32 $0x1  }
0x2: {  	[smem:$0x3F9C] =	sst lr;
	_ =	strace $0xD0000000  }
0x3: {  	_ = 	snop  }
0x4: {  	_ = 	snop  }
0x5: {  	_ = 	snop  }
0x6: {  	_ = 	snop  }
0x7: {  	_ = 	snop  }
__scs_overlays_trampoline_lowered:
0x8: {  	[smem:$0x3FAB] =	sst s0  }
0x9: {  	[smem:$0x3FAC] =	sst s1  }
0xa: {  	[smem:$0x3FAD] =	sst s2  }
0xb: {  	[smem:$0x3FAE] =	sst s3  }
0xc: {  	[smem:$0x3FAF] =	sst s4  }
0xd: {  	[smem:$0x3FB0] =	sst s5  }
0xe: {  	[smem:$0x3FB1] =	sst s6  }
0xf: {  	[smem:$0x3FB2] =	sst s7  }
0x10: {  	[smem:$0x3FB3] =	sst s8  }
0x11: {  	[smem:$0x3FB4] =	sst s9;
	s0 =	simm.s32 @!p0 $0x0  }
0x12: {  	s1 =	sld [smem:$0x3F9A];
	s0 =	simm.s32 @p0 $0x1  }
0x13: {  	[smem:$0x3FB5] =	sst s0;
	s0 =	simm.s32 @!p1 $0x0  }
0x14: {  	s2 =	sld [smem:$0x3F99];
	s0 =	simm.s32 @p1 $0x1  }
0x15: {  	[smem:$0x3FB6] =	sst s0;
	s0 =	simm.s32 @!p2 $0x0  }
0x16: {  	s3 =	sld [smem:$0x3FDB];
	s0 =	simm.s32 @p2 $0x1  }
0x17: {  	s4 =	simm.s32 $0x1BF5;
	[smem:$0x3FB8] =	sst s0  }
0x18: {  	s0 =	sld [smem:$0x3F9B];
	_ =	swait.ge [sflag:s4], $0x0  }
0x19: {  	s7 =	sld [smem:$0x3F9C]  }
0x1a: {  	s8 =	sadd.s32 $0xFFFFE003, lr  }
0x1b: {  	s9 =	sadd.s32 $0xFFFFFEF7, lr;
	s5 =	simm.s32 $0xFFFFFFFF;
	p2 =	slt.u32 s8, $0xFFFFF086  }
0x1c: {  	p1 =	slt.u32 s9, $0xF7A;
	s5 =	simm.s32 @!p2 $0x0  }
0x1d: {  	s5 =	simm.s32 @p1 $0x1;
	p0 =	seq.s32 s7, s2  }
0x1e: {  	s7 =	smul.u32 @!p0 $0xF7A, s2;
	p2 =	seq.s32 @!p0 s5, $0x0  }
0x1f: {  	s9 =	smul.u32 $0xF7A, s1;
	s8 =	simm.s32 @!p0 $0x1BF5;
	p2 =	por !p2, p0  }
0x20: {  	[sflag:s8] =	ssyncset.s32 @!p0 $0xFFFFF086;
	s6 =	sadd.s32 @!p0 s3, s7;
	s7 =	simm.s32 @!p0 $0x108  }
0x21: {  	s3 =	sadd.s32 s3, s9;
	s6 =	sadd.s32 @!p0 $0x88, s6;
	s7 =	simm.s32 @p2 $0x1082  }
0x22: {  	[simem:s7], [sflag:s8] =	dma.local @!p0 [hbm:s6], $0xF7A  }
0x23: {  	s9 =	sor.u32 $0xD0000000, s2;
	s6 =	simm.s32 $0x108;
	_ =	swait.ge @!p0 [sflag:s8], $0x0  }
0x24: {  	s3 =	sadd.s32 $0x88, s3;
	s6 =	simm.s32 @!p1 $0x1082;
	[sflag:s4] =	ssyncset.s32 $0xFFFFF086  }
0x25: {  	[simem:s6], [sflag:s4] =	dma.local [hbm:s3], $0xF7A  }
0x26: {  	[smem:$0x3F9C] =	sst s1;
	(tag) =	ssettag s2;
	_ =	strace s9  }
0x27: {  	s1 =	sld [smem:$0x3FAC]  }
0x28: {  	s2 =	sld [smem:$0x3FAD]  }
0x29: {  	s4 =	sld [smem:$0x3FAF]  }
0x2a: {  	p0 =	seq.s32 s5, $0x0;
	s5 =	sld [smem:$0x3FB0]  }
0x2b: {  	s6 =	sld [smem:$0x3FB1]  }
0x2c: {  	s7 =	sld [smem:$0x3FB2]  }
0x2d: {  	s3 =	simm.s32 $0x108;
	s8 =	sld [smem:$0x3FB3]  }
0x2e: {  	s3 =	simm.s32 @!p0 $0x1082;
	s9 =	sld [smem:$0x3FB4]  }
0x2f: {  	lr =	sadd.s32 s0, s3;
	s0 =	sld [smem:$0x3FAB]  }
0x30: {  	s3 =	sld [smem:$0x3FAE]  }
0x31: {  	[smem:$0x3FB7] =	sst s10  }
0x32: {  	s10 =	sld [smem:$0x3FB5];
	_ =	sdelay $0x3  }
0x33: {  	p0 =	seq.s32 s10, $0x1;
	s10 =	sld [smem:$0x3FB7];
	_ =	sdelay $0x3  }
0x34: {  	[smem:$0x3FB7] =	sst s10  }
0x35: {  	s10 =	sld [smem:$0x3FB6];
	_ =	sdelay $0x3  }
0x36: {  	p1 =	seq.s32 s10, $0x1;
	s10 =	sld [smem:$0x3FB7];
	_ =	sdelay $0x3  }
0x37: {  	[smem:$0x3FB7] =	sst s10  }
0x38: {  	s10 =	sld [smem:$0x3FB8]  }
0x39: {  	_ = 	snop;
	(pc) =	sbr.ind lr, $3  }
0x3a: {  	_ = 	snop  }
0x3b: {  	_ = 	snop  }
0x3c: {  	p2 =	seq.s32 s10, $0x1;
	s10 =	sld [smem:$0x3FB7]  }
0x3d: {  	_ =	shalt  }
0x3e: {  	_ =	shalt  }
0x3f: {  	_ =	shalt  }
0x40: {  	_ =	shalt  }
0x41: {  	_ =	shalt  }
0x42: {  	_ =	shalt  }
0x43: {  	_ =	shalt  }
0x44: {  	_ =	shalt  }
0x45: {  	_ =	shalt  }
0x46: {  	_ =	shalt  }
0x47: {  	_ =	shalt  }
0x48: {  	_ =	shalt  }
0x49: {  	_ =	shalt  }
0x4a: {  	_ =	shalt  }
0x4b: {  	_ =	shalt  }
0x4c: {  	_ =	shalt  }
0x4d: {  	_ =	shalt  }
0x4e: {  	_ =	shalt  }
0x4f: {  	_ =	shalt  }
0x50: {  	_ =	shalt  }
0x51: {  	_ =	shalt  }
0x52: {  	_ =	shalt  }
0x53: {  	_ =	shalt  }
0x54: {  	_ =	shalt  }
0x55: {  	_ =	shalt  }
0x56: {  	_ =	shalt  }
0x57: {  	_ =	shalt  }
0x58: {  	_ =	shalt  }
0x59: {  	_ =	shalt  }
0x5a: {  	_ =	shalt  }
0x5b: {  	_ =	shalt  }
0x5c: {  	_ =	shalt  }
0x5d: {  	_ =	shalt  }
0x5e: {  	_ =	shalt  }
0x5f: {  	_ =	shalt  }
0x60: {  	_ =	shalt  }
0x61: {  	_ =	shalt  }
0x62: {  	_ =	shalt  }
0x63: {  	_ =	shalt  }
0x64: {  	_ =	shalt  }
0x65: {  	_ =	shalt  }
0x66: {  	_ =	shalt  }
0x67: {  	_ =	shalt  }
0x68: {  	_ =	shalt  }
0x69: {  	_ =	shalt  }
0x6a: {  	_ =	shalt  }
0x6b: {  	_ =	shalt  }
0x6c: {  	_ =	shalt  }
0x6d: {  	_ =	shalt  }
0x6e: {  	_ =	shalt  }
0x6f: {  	_ =	shalt  }
0x70: {  	_ =	shalt  }
0x71: {  	_ =	shalt  }
0x72: {  	_ =	shalt  }
0x73: {  	_ =	shalt  }
0x74: {  	_ =	shalt  }
0x75: {  	_ =	shalt  }
0x76: {  	_ =	shalt  }
0x77: {  	_ =	shalt  }
0x78: {  	_ =	shalt  }
0x79: {  	_ =	shalt  }
0x7a: {  	_ =	shalt  }
0x7b: {  	_ =	shalt  }
0x7c: {  	_ =	shalt  }
0x7d: {  	_ =	shalt  }
0x7e: {  	_ =	shalt  }
0x7f: {  	_ =	shalt  }
0x80: {  	_ =	shalt  }
0x81: {  	_ =	shalt  }
0x82: {  	_ =	shalt  }
0x83: {  	_ =	shalt  }
0x84: {  	_ =	shalt  }
0x85: {  	_ =	shalt  }
0x86: {  	_ =	shalt  }
0x87: {  	_ =	shalt  }
.Lfunc_end0:
.L_simem_size_0:
called_computation_lowered:
.L_overlay_start_0:
0x88: {  	s2 =	sld [smem:$0x3FD9]  }
0x89: {  	s3 =	sld [smem:$0x3FFE];
	_ =	sdelay $0x1  }
0x8a: {  	s1 =	srdreg.scid  }
0x8b: {  	s0 =	sand.u32 $0x1, s1  }
0x8c: {  	s15 =	sshll.u32 s0, $0xA;
	s2 =	sadd.s32 s3, s2  }
0x8d: {  	s2 =	sadd.s32 s2, s15  }
0x8e: {  	[smem:$0x3FC3] =	sst s2  }
0x8f: {  	_ = 	snop  }
0x90: {  	s2 =	sld [smem:$0x3FC9]  }
0x91: {  	s16 =	sld [smem:$0x3FD0]  }
0x92: {  	s4 =	sld [smem:$0x3FC8]  }
0x93: {  	s5 =	sld [smem:$0x3FC6]  }
0x94: {  	s7 =	simm.s32 $0xA;
	s8 =	simm.s32 $0x10;
	s6 =	sld [smem:$0x3FC5]  }
0x95: {  	[smem:s8], [sflag:s7] =	dma.local [hbm:s16], $0x1  }
0x96: {  	_ =	swait.eq [sflag:s7], $0x1  }
0x97: {  	[sflag:s7] =	ssyncset.done $0x0  }
0x98: {  	[sflag:s7] =	ssyncadd.s32 $0xFFFFFFFF  }
0x99: {  	s17 =	sld [smem:$0x10];
	(tm) =	ssettm $0x1  }
0x9a: {  	s18 =	sld [smem:$0x3FFB];
	_ =	sdelay $0x3  }
0x9b: {  	_ =	strace s18  }
0x9c: {  	s7 =	sld [smem:$0x3FFC];
	_ =	sdelay $0x3  }
0x9d: {  	_ =	strace s7  }
0x9e: {  	s7 =	sld [smem:$0x3FFD];
	_ =	sdelay $0x3  }
0x9f: {  	_ =	strace s7  }
0xa0: {  	_ =	strace $0x8FFFFFFF  }
0xa1: {  	s19 =	sld [smem:$0x3FDB];
	_ =	sdelay $0x1  }
0xa2: {  	s20 =	simm.s32 $_scs_section_size  }
0xa3: {  	s9 =	simm.s32 $_size__tile_overlayer_lowered;
	s10 =	simm.s32 $_tile_overlayer_lowered  }
0xa4: {  	s23 =	simm.s32 $0x1BFF;
	s22 =	sshll.u32 s10, $0x1;
	s7 =	sadd.s32 s20, s19  }
0xa5: {  	s11 =	simm.s32 $0x0;
	s21 =	sshll.u32 s9, $0x1;
	s9 =	sadd.s32 s22, s7  }
0xa6: {  	[timem:s11], [sflag:s23] =	dma.local [hbm:s9], s21  }
0xa7: {  	_ =	swait.ge [sflag:s23], s21  }
0xa8: {  	s8 =	ssub.s32 $0x0, s21;
	[sflag:s23] =	ssyncset.done $0x0  }
0xa9: {  	[sflag:s23] =	ssyncadd.s32 s8;
	_ =	sdelay $0x1  }
0xaa: {  	s24 =	simm.s32 $0x1B8B  }
0xab: {  	_ =	swait.ge [sflag:s24], $0x1  }
0xac: {  	[sflag:s24] =	ssyncset.done $0x0  }
0xad: {  	s25 =	simm.s32 $0x1B8E;
	[sflag:s24] =	ssyncadd.s32 $0xFFFFFFFF  }
0xae: {  	s26 =	simm.s32 $execute0_lowered;
	[smem:$0x3FD2] =	sst s25  }
0xaf: {  	s8 =	sshll.u32 s26, $0x1;
	_ =	strace $0x80000046;
	[dreg:$0x1] =	wrdreg $0xFFFFFFFF  }
0xb0: {  	s28 =	simm.s32 $_size_execute0_lowered;
	s7 =	sadd.s32 s7, s8;
	[dreg:$0x0] =	wrdreg $0x0  }
0xb1: {  	s8 =	sshll.u32 s28, $0x1;
	[dreg:$0x2] =	wrdreg s7  }
0xb2: {  	[dreg:$0x3] =	wrdreg s8  }
0xb3: {  	[dreg:$0x4] =	wrdreg $0xC0  }
0xb4: {  	_ =	task [dreg:s11], $0x5FFFF  }
0xb5: {  	[dreg:$0x1] =	wrdreg $0xFFFFFFFF  }
0xb6: {  	[dreg:$0x0] =	wrdreg $0x60  }
0xb7: {  	[dreg:$0x2] =	wrdreg s2  }
0xb8: {  	[dreg:$0x3] =	wrdreg s4  }
0xb9: {  	[dreg:$0x4] =	wrdreg s5  }
0xba: {  	[dreg:$0x5] =	wrdreg s6  }
0xbb: {  	[dreg:$0x6] =	wrdreg s17  }
0xbc: {  	[dreg:$0x7] =	wrdreg $0x9  }
0xbd: {  	_ =	task.clear_ibuf [dreg:s11], $0x8FFFF;
	_ =	strace $0x90000046  }
0xbe: {  	s29 =	simm.s32 $0x9;
	_ =	strace $0x80000048  }
0xbf: {  	_ =	swait.ge [sflag:s29], $0x1  }
0xc0: {  	[sflag:s29] =	ssyncadd.s32 $0xFFFFFFFF  }
0xc1: {  	_ =	strace $0x90000048  }
0xc2: {  	_ =	sfence  }
0xc3: {  	s30 =	sld [smem:$0x0];
	_ =	sdelay $0x2  }
0xc4: {  	s31 =	sshll.u32 s1, $0xD;
	s1 =	sshrl.u32 s1, $0x2  }
0xc5: {  	s3 =	sand.u32 $0x4000, s31;
	s1 =	sadd.s32 s1, s30  }
0xc6: {  	s0 =	sor.u32 s3, s0;
	s1 =	sshll.u32 s1, $0x11  }
0xc7: {  	s0 =	sor.u32 s1, s0  }
0xc8: {  	s0 =	sadd.s32 $0x8F2B, s0  }
0xc9: {  	[sflag:s0] =	ssyncadd.remote.s32 $0x1  }
0xca: {  	_ =	sfence.sel $0xFFFF  }
0xcb: {  	[dreg:$0x0] =	wrdreg $0xFFFFFFFF;
	(pc) =	sbr.abs _section_cstart, $3  }
0xcc: {  	[dreg:$0x1] =	wrdreg $0xFFFFFFFF  }
0xcd: {  	_ =	task.clear_ibuf [dreg:s11], $0x2FFFF;
	_ =	strace $0x9FFFFFFF  }
0xce: {  	(tm) =	ssettm $0x7FFFFFFF  }
0xcf: {  	_ =	shalt  }
tec
execute0_lowered:
.L_overlay_start_1:
0x0: {  	(tag) =	ssettag $0x1  }
0x1: {  	s0 =	rddreg [dreg:$0x0]  }
0x2: {  	s1 =	rddreg [dreg:$0x1]  }
0x3: {  	s2 =	rddreg [dreg:$0x2]  }
0x4: {  	s3 =	rddreg [dreg:$0x3]  }
0x5: {  	s4 =	rddreg [dreg:$0x4]  }
0x6: {  	s9 =	stileid.u32;
	s5 =	simm.s32 $0x0;
	s6 =	srdreg.scid  }
0x7: {  	s20 =	simm.s32 $0x200;
	s21 =	simm.s32 $0xA;
	s18 =	simm.s32 $0x8200  }
0x8: {  	s28 =	simm.s32 $0x1;
	s29 =	simm.s32 $0x4;
	s31 =	simm.s32 $0x6  }
0x9: {  	s22 =	simm.s32 $0x9;
	s7 =	sshll.u32 s9, $0x1;
	[smem:$0x7FF] =	sst s5  }
0xa: {  	s6 =	sand.u32 $0x1, s6;
	s9 =	sshrl.u32 s9, $0x2;
	s12 =	sadd.s32 $0x100, s3  }
0xb: {  	s13 =	sadd.s32 $0x200, s3;
	s15 =	sadd.s32 $0x300, s3;
	s7 =	sand.u32 $0x6, s7  }
0xc: {  	s8 =	ssub.s32 $0x2, s6;
	s11 =	sshll.u32 s9, $0x4;
	_ =	strace $0x80000047  }
0xd: {  	s25 =	sshll.u32 s9, $0x15;
	s6 =	sor.u32 s6, s7;
	s23 =	sshrl.u32 s8, $0x1  }
0xe: {  	s10 =	sshll.u32 s6, $0x7;
	s7 =	ssub.s32 s8, s23;
	s6 =	sshll.u32 s6, $0x12  }
0xf: {  	s8 =	sadd.s32 $0x100, s2;
	s24 =	sor.u32 s11, s10;
	s30 =	smax.u32 s7, $0x1  }
0x10: {  	s9 =	sor.u32 s25, s6;
	s0 =	sadd.s32 s0, s24;
	[dreg:$0xb] =	wrdreg s30  }
0x11: {  	s1 =	sadd.s32 s1, s24;
	[dreg:$0x6] =	wrdreg s0;
	s0 =	sshrl.u32 s9, $0x3  }
0x12: {  	s23 =	simm.s32 $0x7;
	[dreg:$0x7] =	wrdreg s1;
	s0 =	sadd.s32 s4, s0  }
0x13: {  	v2 =	vlaneseq.u32;
	s10 =	sadd.s32 $0x200, s2;
	s26 =	sadd.s32 $0x7000, s0;
	[dreg:$0x8] =	wrdreg s0  }
0x14: {  	vm0 =	vmmov $0xffff;
	v1 =	vshrl.u32 v2, $0x3;
	s11 =	sadd.s32 $0x300, s2;
	s0 =	sadd.s32 $0x7800, s0;
	[dreg:$0x9] =	wrdreg s26  }
0x15: {  	v0 =	vand.u32 $0x7, v2;
	v2 =	vor.u32 $0x8, v2;
	v1 =	vmul.u32 $0x8, v1;
	s24 =	simm.s32 $0x0;
	[dreg:$0xa] =	wrdreg s0;
	s0 =	simm.s32 $0x8  }
.LBB2_1:
0x16: {  	s1 =	rddreg [dreg:$0x6];
	s6 =	simm.s32 $0x80  }
0x17: {  	[tilespmem:s5], [sflag:$0xA] =	stream.strided.gather [hbm4b:s1+s6], $0x100, s20, s6, $0x38;
	[tilespmem:$0x18200] =	vst v63  }
0x18: {  	_ =	swait.ge [sflag:s21], $0x100  }
0x19: {  	[sflag:s21] =	ssyncset.done $0x0  }
0x1a: {  	s7 =	simm.s32 $0x100;
	s25 =	rddreg [dreg:$0x7];
	[sflag:s21] =	ssyncadd.s32 $0xFFFFFF00  }
0x1b: {  	[tilespmem:s7], [sflag:$0xA] =	stream.strided.gather [hbm4b:s25+s6], $0x100, s20, s6, $0x38;
	[tilespmem:$0x18200] =	vst v63  }
0x1c: {  	_ =	swait.ge [sflag:s21], $0x100  }
0x1d: {  	[sflag:s21] =	ssyncset.done $0x0  }
0x1e: {  	[sflag:s21] =	ssyncadd.s32 $0xFFFFFF00  }
0x1f: {  	v3 =	vld [tilespmem:$0x0];
	_ =	sdelay $0x4  }
0x20: {  	v4 =	vshll.u32 v3, $0x3  }
0x21: {  	v3 =	vand.u32 $0x7, v3;
	v4 =	vand.u32 $0xFFFFFFC0, v4  }
0x22: {  	v3 =	vor.u32 v3, v4  }
0x23: {  	v4 =	vperm.xlane v3, v0;
	_ =	sdelay $0x1  }
0x24: {  	v4 =	vadd.s32 v1, v4;
	_ =	sdelay $0x4  }
0x25: {  	[tilespmem:s20], [sflag:$0x1] =	stream.indirect_vreg.gather [hbm4b:s2+s5], $0x80, v4, vm0, $0xb8;
	[tilespmem:$0x18200] =	vst v63  }
0x26: {  	s26 =	simm.s32 $0xA00;
	v3 =	vperm.xlane v3, v2  }
0x27: {  	[tilespmem:s26], [sflag:$0x1] =	stream.indirect_vreg.gather [hbm4b:s8+s5], $0x80, v4, vm0, $0xb8;
	[tilespmem:$0x18200] =	vst v63  }
0x28: {  	s30 =	simm.s32 $0x1200;
	v3 =	vadd.s32 v1, v3  }
0x29: {  	[tilespmem:s30], [sflag:$0x1] =	stream.indirect_vreg.gather [hbm4b:s10+s5], $0x80, v4, vm0, $0xb8;
	[tilespmem:$0x18200] =	vst v63  }
0x2a: {  	s6 =	simm.s32 $0x1A00  }
0x2b: {  	[tilespmem:s6], [sflag:$0x1] =	stream.indirect_vreg.gather [hbm4b:s11+s5], $0x80, v4, vm0, $0xb8;
	[tilespmem:$0x18200] =	vst v63  }
0x2c: {  	s7 =	simm.s32 $0x2200  }
0x2d: {  	[tilespmem:s7], [sflag:$0x1] =	stream.indirect_vreg.gather [hbm4b:s2+s5], $0x80, v3, vm0, $0xb8;
	[tilespmem:$0x18200] =	vst v63  }
0x2e: {  	s14 =	simm.s32 $0x2A00  }
0x2f: {  	[tilespmem:s14], [sflag:$0x1] =	stream.indirect_vreg.gather [hbm4b:s8+s5], $0x80, v3, vm0, $0xb8;
	[tilespmem:$0x18200] =	vst v63  }
0x30: {  	s16 =	simm.s32 $0x3200  }
0x31: {  	[tilespmem:s16], [sflag:$0x1] =	stream.indirect_vreg.gather [hbm4b:s10+s5], $0x80, v3, vm0, $0xb8;
	[tilespmem:$0x18200] =	vst v63  }
0x32: {  	s17 =	simm.s32 $0x3A00  }
0x33: {  	[tilespmem:s17], [sflag:$0x1] =	stream.indirect_vreg.gather [hbm4b:s11+s5], $0x80, v3, vm0, $0xb8;
	[tilespmem:$0x18200] =	vst v63  }
0x34: {  	v3 =	vld [tilespmem:$0x100];
	_ =	sdelay $0x4  }
0x35: {  	v4 =	vshll.u32 v3, $0x3  }
0x36: {  	v3 =	vand.u32 $0x7, v3;
	v4 =	vand.u32 $0xFFFFFFC0, v4  }
0x37: {  	v3 =	vor.u32 v3, v4  }
0x38: {  	v4 =	vperm.xlane v3, v0;
	_ =	sdelay $0x1  }
0x39: {  	v4 =	vadd.s32 v1, v4;
	_ =	sdelay $0x3  }
0x3a: {  	s19 =	simm.s32 $0xC200  }
0x3b: {  	[tilespmem:s19], [sflag:$0x4] =	stream.indirect_vreg.gather [hbm4b:s3+s5], $0x80, v4, vm0, $0xb8;
	[tilespmem:$0x18200] =	vst v63  }
0x3c: {  	s25 =	simm.s32 $0xCA00;
	v3 =	vperm.xlane v3, v2  }
0x3d: {  	[tilespmem:s25], [sflag:$0x4] =	stream.indirect_vreg.gather [hbm4b:s12+s5], $0x80, v4, vm0, $0xb8;
	[tilespmem:$0x18200] =	vst v63  }
0x3e: {  	s26 =	simm.s32 $0xD200;
	v3 =	vadd.s32 v1, v3  }
0x3f: {  	[tilespmem:s26], [sflag:$0x4] =	stream.indirect_vreg.gather [hbm4b:s13+s5], $0x80, v4, vm0, $0xb8;
	[tilespmem:$0x18200] =	vst v63  }
0x40: {  	s30 =	simm.s32 $0xDA00  }
0x41: {  	[tilespmem:s30], [sflag:$0x4] =	stream.indirect_vreg.gather [hbm4b:s15+s5], $0x80, v4, vm0, $0xb8;
	[tilespmem:$0x18200] =	vst v63  }
0x42: {  	s6 =	simm.s32 $0xE200  }
0x43: {  	[tilespmem:s6], [sflag:$0x4] =	stream.indirect_vreg.gather [hbm4b:s3+s5], $0x80, v3, vm0, $0xb8;
	[tilespmem:$0x18200] =	vst v63  }
0x44: {  	s7 =	simm.s32 $0xEA00  }
0x45: {  	[tilespmem:s7], [sflag:$0x4] =	stream.indirect_vreg.gather [hbm4b:s12+s5], $0x80, v3, vm0, $0xb8;
	[tilespmem:$0x18200] =	vst v63  }
0x46: {  	s14 =	simm.s32 $0xF200  }
0x47: {  	[tilespmem:s14], [sflag:$0x4] =	stream.indirect_vreg.gather [hbm4b:s13+s5], $0x80, v3, vm0, $0xb8;
	[tilespmem:$0x18200] =	vst v63  }
0x48: {  	s16 =	simm.s32 $0xFA00  }
0x49: {  	[tilespmem:s16], [sflag:$0x4] =	stream.indirect_vreg.gather [hbm4b:s15+s5], $0x80, v3, vm0, $0xb8;
	[tilespmem:$0x18200] =	vst v63  }
0x4a: {  	v3 =	vld [tilespmem:$0x10];
	_ =	sdelay $0x4  }
0x4b: {  	v4 =	vshll.u32 v3, $0x3  }
0x4c: {  	v3 =	vand.u32 $0x7, v3;
	v4 =	vand.u32 $0xFFFFFFC0, v4  }
0x4d: {  	v3 =	vor.u32 v3, v4  }
0x4e: {  	v4 =	vperm.xlane v3, v0;
	_ =	sdelay $0x1  }
0x4f: {  	v4 =	vadd.s32 v1, v4;
	_ =	sdelay $0x3  }
0x50: {  	s17 =	simm.s32 $0x4200  }
0x51: {  	[tilespmem:s17], [sflag:$0x2] =	stream.indirect_vreg.gather [hbm4b:s2+s5], $0x80, v4, vm0, $0xb8;
	[tilespmem:$0x18200] =	vst v63  }
0x52: {  	s19 =	simm.s32 $0x4A00;
	v3 =	vperm.xlane v3, v2  }
0x53: {  	[tilespmem:s19], [sflag:$0x2] =	stream.indirect_vreg.gather [hbm4b:s8+s5], $0x80, v4, vm0, $0xb8;
	[tilespmem:$0x18200] =	vst v63  }
0x54: {  	s25 =	simm.s32 $0x5200;
	v3 =	vadd.s32 v1, v3  }
0x55: {  	[tilespmem:s25], [sflag:$0x2] =	stream.indirect_vreg.gather [hbm4b:s10+s5], $0x80, v4, vm0, $0xb8;
	[tilespmem:$0x18200] =	vst v63  }
0x56: {  	s26 =	simm.s32 $0x5A00  }
0x57: {  	[tilespmem:s26], [sflag:$0x2] =	stream.indirect_vreg.gather [hbm4b:s11+s5], $0x80, v4, vm0, $0xb8;
	[tilespmem:$0x18200] =	vst v63  }
0x58: {  	s30 =	simm.s32 $0x6200  }
0x59: {  	[tilespmem:s30], [sflag:$0x2] =	stream.indirect_vreg.gather [hbm4b:s2+s5], $0x80, v3, vm0, $0xb8;
	[tilespmem:$0x18200] =	vst v63  }
0x5a: {  	s6 =	simm.s32 $0x6A00  }
0x5b: {  	[tilespmem:s6], [sflag:$0x2] =	stream.indirect_vreg.gather [hbm4b:s8+s5], $0x80, v3, vm0, $0xb8;
	[tilespmem:$0x18200] =	vst v63  }
0x5c: {  	s7 =	simm.s32 $0x7200  }
0x5d: {  	[tilespmem:s7], [sflag:$0x2] =	stream.indirect_vreg.gather [hbm4b:s10+s5], $0x80, v3, vm0, $0xb8;
	[tilespmem:$0x18200] =	vst v63  }
0x5e: {  	s14 =	simm.s32 $0x7A00  }
0x5f: {  	[tilespmem:s14], [sflag:$0x2] =	stream.indirect_vreg.gather [hbm4b:s11+s5], $0x80, v3, vm0, $0xb8;
	[tilespmem:$0x18200] =	vst v63  }
0x60: {  	v3 =	vld [tilespmem:$0x110];
	_ =	sdelay $0x4  }
0x61: {  	v4 =	vshll.u32 v3, $0x3  }
0x62: {  	v3 =	vand.u32 $0x7, v3;
	v4 =	vand.u32 $0xFFFFFFC0, v4  }
0x63: {  	v3 =	vor.u32 v3, v4  }
0x64: {  	v4 =	vperm.xlane v3, v0;
	_ =	sdelay $0x1  }
0x65: {  	v4 =	vadd.s32 v1, v4;
	_ =	sdelay $0x3  }
0x66: {  	s16 =	simm.s32 $0x10200  }
0x67: {  	[tilespmem:s16], [sflag:$0x5] =	stream.indirect_vreg.gather [hbm4b:s3+s5], $0x80, v4, vm0, $0xb8;
	[tilespmem:$0x18200] =	vst v63  }
0x68: {  	s17 =	simm.s32 $0x10A00;
	v3 =	vperm.xlane v3, v2  }
0x69: {  	[tilespmem:s17], [sflag:$0x5] =	stream.indirect_vreg.gather [hbm4b:s12+s5], $0x80, v4, vm0, $0xb8;
	[tilespmem:$0x18200] =	vst v63  }
0x6a: {  	s19 =	simm.s32 $0x11200;
	v3 =	vadd.s32 v1, v3  }
0x6b: {  	[tilespmem:s19], [sflag:$0x5] =	stream.indirect_vreg.gather [hbm4b:s13+s5], $0x80, v4, vm0, $0xb8;
	[tilespmem:$0x18200] =	vst v63  }
0x6c: {  	s25 =	simm.s32 $0x11A00  }
0x6d: {  	[tilespmem:s25], [sflag:$0x5] =	stream.indirect_vreg.gather [hbm4b:s15+s5], $0x80, v4, vm0, $0xb8;
	[tilespmem:$0x18200] =	vst v63  }
0x6e: {  	s26 =	simm.s32 $0x12200  }
0x6f: {  	[tilespmem:s26], [sflag:$0x5] =	stream.indirect_vreg.gather [hbm4b:s3+s5], $0x80, v3, vm0, $0xb8;
	[tilespmem:$0x18200] =	vst v63  }
0x70: {  	s30 =	simm.s32 $0x12A00  }
0x71: {  	[tilespmem:s30], [sflag:$0x5] =	stream.indirect_vreg.gather [hbm4b:s12+s5], $0x80, v3, vm0, $0xb8;
	[tilespmem:$0x18200] =	vst v63  }
0x72: {  	s6 =	simm.s32 $0x13200  }
0x73: {  	[tilespmem:s6], [sflag:$0x5] =	stream.indirect_vreg.gather [hbm4b:s13+s5], $0x80, v3, vm0, $0xb8;
	[tilespmem:$0x18200] =	vst v63  }
0x74: {  	s7 =	simm.s32 $0x13A00  }
0x75: {  	[tilespmem:s7], [sflag:$0x5] =	stream.indirect_vreg.gather [hbm4b:s15+s5], $0x80, v3, vm0, $0xb8;
	[tilespmem:$0x18200] =	vst v63  }
0x76: {  	v3 =	vld [tilespmem:$0x20];
	_ =	sdelay $0x4  }
0x77: {  	v4 =	vshll.u32 v3, $0x3  }
0x78: {  	v3 =	vand.u32 $0x7, v3;
	v4 =	vand.u32 $0xFFFFFFC0, v4  }
0x79: {  	v3 =	vor.u32 v3, v4  }
0x7a: {  	v4 =	vperm.xlane v3, v0;
	_ =	sdelay $0x1  }
0x7b: {  	v4 =	vadd.s32 v1, v4;
	_ =	sdelay $0x4  }
0x7c: {  	[tilespmem:s18], [sflag:$0x3] =	stream.indirect_vreg.gather [hbm4b:s2+s5], $0x80, v4, vm0, $0xb8;
	[tilespmem:$0x18200] =	vst v63  }
0x7d: {  	s14 =	simm.s32 $0x8A00;
	v3 =	vperm.xlane v3, v2  }
0x7e: {  	[tilespmem:s14], [sflag:$0x3] =	stream.indirect_vreg.gather [hbm4b:s8+s5], $0x80, v4, vm0, $0xb8;
	[tilespmem:$0x18200] =	vst v63  }
0x7f: {  	s16 =	simm.s32 $0x9200;
	v3 =	vadd.s32 v1, v3  }
0x80: {  	[tilespmem:s16], [sflag:$0x3] =	stream.indirect_vreg.gather [hbm4b:s10+s5], $0x80, v4, vm0, $0xb8;
	[tilespmem:$0x18200] =	vst v63  }
0x81: {  	s17 =	simm.s32 $0x9A00  }
0x82: {  	[tilespmem:s17], [sflag:$0x3] =	stream.indirect_vreg.gather [hbm4b:s11+s5], $0x80, v4, vm0, $0xb8;
	[tilespmem:$0x18200] =	vst v63  }
0x83: {  	s18 =	simm.s32 $0xA200  }
0x84: {  	[tilespmem:s18], [sflag:$0x3] =	stream.indirect_vreg.gather [hbm4b:s2+s5], $0x80, v3, vm0, $0xb8;
	[tilespmem:$0x18200] =	vst v63  }
0x85: {  	s19 =	simm.s32 $0xAA00  }
0x86: {  	[tilespmem:s19], [sflag:$0x3] =	stream.indirect_vreg.gather [hbm4b:s8+s5], $0x80, v3, vm0, $0xb8;
	[tilespmem:$0x18200] =	vst v63  }
0x87: {  	s25 =	simm.s32 $0xB200  }
0x88: {  	[tilespmem:s25], [sflag:$0x3] =	stream.indirect_vreg.gather [hbm4b:s10+s5], $0x80, v3, vm0, $0xb8;
	[tilespmem:$0x18200] =	vst v63  }
0x89: {  	s26 =	simm.s32 $0xBA00  }
0x8a: {  	[tilespmem:s26], [sflag:$0x3] =	stream.indirect_vreg.gather [hbm4b:s11+s5], $0x80, v3, vm0, $0xb8;
	[tilespmem:$0x18200] =	vst v63  }
0x8b: {  	v3 =	vld [tilespmem:$0x120];
	_ =	sdelay $0x4  }
0x8c: {  	v4 =	vshll.u32 v3, $0x3  }
0x8d: {  	v3 =	vand.u32 $0x7, v3;
	v4 =	vand.u32 $0xFFFFFFC0, v4  }
0x8e: {  	v3 =	vor.u32 v3, v4  }
0x8f: {  	v4 =	vperm.xlane v3, v0;
	_ =	sdelay $0x1  }
0x90: {  	v4 =	vadd.s32 v1, v4;
	_ =	sdelay $0x3  }
0x91: {  	s30 =	simm.s32 $0x14200  }
0x92: {  	[tilespmem:s30], [sflag:$0x6] =	stream.indirect_vreg.gather [hbm4b:s3+s5], $0x80, v4, vm0, $0xb8;
	[tilespmem:$0x18200] =	vst v63  }
0x93: {  	s6 =	simm.s32 $0x14A00;
	v3 =	vperm.xlane v3, v2  }
0x94: {  	[tilespmem:s6], [sflag:$0x6] =	stream.indirect_vreg.gather [hbm4b:s12+s5], $0x80, v4, vm0, $0xb8;
	[tilespmem:$0x18200] =	vst v63  }
0x95: {  	s7 =	simm.s32 $0x15200;
	v3 =	vadd.s32 v1, v3  }
0x96: {  	[tilespmem:s7], [sflag:$0x6] =	stream.indirect_vreg.gather [hbm4b:s13+s5], $0x80, v4, vm0, $0xb8;
	[tilespmem:$0x18200] =	vst v63  }
0x97: {  	s14 =	simm.s32 $0x15A00  }
0x98: {  	[tilespmem:s14], [sflag:$0x6] =	stream.indirect_vreg.gather [hbm4b:s15+s5], $0x80, v4, vm0, $0xb8;
	[tilespmem:$0x18200] =	vst v63  }
0x99: {  	s16 =	simm.s32 $0x16200  }
0x9a: {  	[tilespmem:s16], [sflag:$0x6] =	stream.indirect_vreg.gather [hbm4b:s3+s5], $0x80, v3, vm0, $0xb8;
	[tilespmem:$0x18200] =	vst v63  }
0x9b: {  	s17 =	simm.s32 $0x16A00  }
0x9c: {  	[tilespmem:s17], [sflag:$0x6] =	stream.indirect_vreg.gather [hbm4b:s12+s5], $0x80, v3, vm0, $0xb8;
	[tilespmem:$0x18200] =	vst v63  }
0x9d: {  	s18 =	simm.s32 $0x17200  }
0x9e: {  	[tilespmem:s18], [sflag:$0x6] =	stream.indirect_vreg.gather [hbm4b:s13+s5], $0x80, v3, vm0, $0xb8;
	[tilespmem:$0x18200] =	vst v63  }
0x9f: {  	s19 =	simm.s32 $0x17A00  }
0xa0: {  	[tilespmem:s19], [sflag:$0x6] =	stream.indirect_vreg.gather [hbm4b:s15+s5], $0x80, v3, vm0, $0xb8;
	[tilespmem:$0x18200] =	vst v63  }
0xa1: {  	_ =	swait.ge [sflag:s28], $0x4000  }
0xa2: {  	[sflag:s28] =	ssyncset.done $0x0  }
0xa3: {  	s25 =	simm.s32 $0x0;
	s26 =	sand.u32 $0x1800, s5;
	[sflag:s28] =	ssyncadd.s32 $0xFFFFC000  }
0xa4: {  	s6 =	sand.u32 $0x2000, s25;
	s16 =	simm.s32 $0x0;
	_ =	swait.ge [sflag:s29], $0x4000  }
0xa5: {  	s6 =	sor.u32 s26, s6;
	s30 =	sand.u32 $0x380, s16;
	[sflag:s29] =	ssyncset.done $0x0  }
0xa6: {  	s6 =	sor.u32 s30, s6;
	[sflag:s29] =	ssyncadd.s32 $0xFFFFC000  }
0xa7: {  	v3 =	vld [tilespmem:s6+$0xC670]  }
0xa8: {  	v8 =	vld [tilespmem:s6+$0xC200]  }
0xa9: {  	v9 =	vld [tilespmem:s6+$0xC210]  }
0xaa: {  	v10 =	vld [tilespmem:s6+$0xC220]  }
0xab: {  	v11 =	vld [tilespmem:s6+$0xC230]  }
0xac: {  	v12 =	vld [tilespmem:s6+$0xC240]  }
0xad: {  	v13 =	vld [tilespmem:s6+$0xC250]  }
0xae: {  	v14 =	vld [tilespmem:s6+$0xC260]  }
0xaf: {  	v15 =	vld [tilespmem:s6+$0xC270]  }
0xb0: {  	v16 =	vld [tilespmem:s6+$0xC600]  }
0xb1: {  	v17 =	vld [tilespmem:s6+$0xC610]  }
0xb2: {  	v7 =	vld [tilespmem:s6+$0xC620]  }
0xb3: {  	v6 =	vld [tilespmem:s6+$0xC630]  }
0xb4: {  	v5 =	vld [tilespmem:s6+$0xC640]  }
0xb5: {  	v4 =	vld [tilespmem:s6+$0xC660]  }
0xb6: {  	[tilespmem:s6+$0x670] =	vst.add.f32.msk $0xffff, v3  }
0xb7: {  	v3 =	vld [tilespmem:s6+$0xC650]  }
0xb8: {  	[tilespmem:s6+$0x200] =	vst.add.f32.msk $0xffff, v8  }
0xb9: {  	[tilespmem:s6+$0x210] =	vst.add.f32.msk $0xffff, v9  }
0xba: {  	[tilespmem:s6+$0x220] =	vst.add.f32.msk $0xffff, v10  }
0xbb: {  	[tilespmem:s6+$0x230] =	vst.add.f32.msk $0xffff, v11  }
0xbc: {  	[tilespmem:s6+$0x240] =	vst.add.f32.msk $0xffff, v12  }
0xbd: {  	[tilespmem:s6+$0x250] =	vst.add.f32.msk $0xffff, v13  }
0xbe: {  	[tilespmem:s6+$0x260] =	vst.add.f32.msk $0xffff, v14  }
0xbf: {  	[tilespmem:s6+$0x270] =	vst.add.f32.msk $0xffff, v15  }
0xc0: {  	[tilespmem:s6+$0x600] =	vst.add.f32.msk $0xffff, v16  }
0xc1: {  	s7 =	simm.s32 $0x0;
	s16 =	simm.s32 $0x0;
	[tilespmem:s6+$0x610] =	vst.add.f32.msk $0xffff, v17  }
.LBB2_2:
0xc2: {  	s7 =	sadd.s32 $0x10, s7;
	[tilespmem:s6+$0x620] =	vst.add.f32.msk $0xffff, v7  }
0xc3: {  	s16 =	sadd.s32 $0x800, s16;
	s17 =	sshll.u32 s7, $0x4;
	p0 =	slt.u32 s7, $0x3F0;
	[tilespmem:s6+$0x630] =	vst.add.f32.msk $0xffff, v6  }
0xc4: {  	s19 =	sand.u32 $0x1800, s16;
	s25 =	sshll.u32 s7, $0x1;
	s17 =	sand.u32 $0x2000, s17;
	[tilespmem:s6+$0x640] =	vst.add.f32.msk $0xffff, v5  }
0xc5: {  	s17 =	sor.u32 s19, s17;
	s19 =	sand.u32 $0x380, s25;
	[tilespmem:s6+$0x650] =	vst.add.f32.msk $0xffff, v3  }
0xc6: {  	[tilespmem:s6+$0x660] =	vst.add.f32.msk $0xffff, v4;
	s6 =	sor.u32 s19, s17  }
0xc7: {  	v3 =	vld [tilespmem:s6+$0xC670]  }
0xc8: {  	v8 =	vld [tilespmem:s6+$0xC200]  }
0xc9: {  	v9 =	vld [tilespmem:s6+$0xC210]  }
0xca: {  	v10 =	vld [tilespmem:s6+$0xC220]  }
0xcb: {  	v11 =	vld [tilespmem:s6+$0xC230]  }
0xcc: {  	[tilespmem:s6+$0x670] =	vst.add.f32.msk $0xffff, v3  }
0xcd: {  	v12 =	vld [tilespmem:s6+$0xC240]  }
0xce: {  	v13 =	vld [tilespmem:s6+$0xC250]  }
0xcf: {  	v14 =	vld [tilespmem:s6+$0xC260]  }
0xd0: {  	v15 =	vld [tilespmem:s6+$0xC270]  }
0xd1: {  	v16 =	vld [tilespmem:s6+$0xC600]  }
0xd2: {  	v17 =	vld [tilespmem:s6+$0xC610]  }
0xd3: {  	v7 =	vld [tilespmem:s6+$0xC620]  }
0xd4: {  	v6 =	vld [tilespmem:s6+$0xC630]  }
0xd5: {  	v5 =	vld [tilespmem:s6+$0xC640]  }
0xd6: {  	v3 =	vld [tilespmem:s6+$0xC650]  }
0xd7: {  	v4 =	vld [tilespmem:s6+$0xC660]  }
0xd8: {  	[tilespmem:s6+$0x200] =	vst.add.f32.msk $0xffff, v8  }
0xd9: {  	[tilespmem:s6+$0x210] =	vst.add.f32.msk $0xffff, v9  }
0xda: {  	[tilespmem:s6+$0x220] =	vst.add.f32.msk $0xffff, v10  }
0xdb: {  	[tilespmem:s6+$0x230] =	vst.add.f32.msk $0xffff, v11  }
0xdc: {  	[tilespmem:s6+$0x240] =	vst.add.f32.msk $0xffff, v12  }
.Ltmp0:
0xdd: {  	[tilespmem:s6+$0x250] =	vst.add.f32.msk $0xffff, v13;
	(pc) =	sbr.rel @p0 .LBB2_2-.Ltmp0, $4  }
0xde: {  	[tilespmem:s6+$0x260] =	vst.add.f32.msk $0xffff, v14  }
0xdf: {  	[tilespmem:s6+$0x270] =	vst.add.f32.msk $0xffff, v15  }
0xe0: {  	[tilespmem:s6+$0x600] =	vst.add.f32.msk $0xffff, v16  }
0xe1: {  	[tilespmem:s6+$0x610] =	vst.add.f32.msk $0xffff, v17  }
0xe2: {  	[tilespmem:s6+$0x620] =	vst.add.f32.msk $0xffff, v7  }
0xe3: {  	[tilespmem:s6+$0x630] =	vst.add.f32.msk $0xffff, v6  }
0xe4: {  	[tilespmem:s6+$0x640] =	vst.add.f32.msk $0xffff, v5  }
0xe5: {  	[tilespmem:s6+$0x650] =	vst.add.f32.msk $0xffff, v3  }
0xe6: {  	[tilespmem:s6+$0x660] =	vst.add.f32.msk $0xffff, v4  }
0xe7: {  	s25 =	simm.s32 $0x1;
	s1 =	rddreg [dreg:$0x8]  }
0xe8: {  	[hbm4b:s1+s5] =	stream.linear.scatter [tilespmem:s20], [sflag:$0x7], $0x4000, $0x38;
	[tilespmem:$0x18200] =	vst v63  }
.LBB2_4:
0xe9: {  	s6 =	smul.u32 $0xAB, s25;
	_ =	sdelay $0x1  }
0xea: {  	s6 =	sshrl.u32 s6, $0x9  }
0xeb: {  	s6 =	sand.u32 $0x7F, s6  }
0xec: {  	s6 =	smul.u32 $0x3, s6  }
0xed: {  	s7 =	sadd.s32 $0xFFFFFFFF, s25  }
0xee: {  	s30 =	sand.u32 $0xFF, s7;
	s6 =	ssub.s32 s25, s6  }
0xef: {  	s26 =	sand.u32 $0xFF, s6;
	s6 =	smul.u32 $0xAB, s30  }
0xf0: {  	s16 =	sadd.s32 $0x1, s26  }
0xf1: {  	_ =	swait.ge [sflag:s16], $0x4000;
	s6 =	sshrl.u32 s6, $0x9  }
0xf2: {  	s19 =	simm.s32 $0x0;
	[sflag:s16] =	ssyncset.done $0x0;
	s6 =	smul.u32 $0x3, s6  }
0xf3: {  	s18 =	simm.s32 $0x0;
	s1 =	sor.u32 $0x4, s26;
	[sflag:s16] =	ssyncadd.s32 $0xFFFFC000  }
0xf4: {  	s17 =	sand.u32 $0x1800, s19;
	_ =	swait.ge [sflag:s1], $0x4000;
	s6 =	ssub.s32 s7, s6  }
0xf5: {  	s30 =	simm.s32 $0x0;
	[sflag:s1] =	ssyncset.done $0x0;
	s7 =	sand.u32 $0xFF, s6  }
0xf6: {  	s6 =	sand.u32 $0x2000, s30;
	[sflag:s1] =	ssyncadd.s32 $0xFFFFC000;
	s14 =	sadd.s32 $0x7, s7  }
0xf7: {  	s18 =	sand.u32 $0x380, s18;
	s17 =	sor.u32 s6, s17;
	_ =	swait.ge [sflag:s14], $0x4000  }
0xf8: {  	s6 =	sshll.u32 s26, $0xE;
	s17 =	sor.u32 s18, s17;
	[sflag:s14] =	ssyncset.done $0x0  }
0xf9: {  	s16 =	sor.u32 s6, s17;
	[sflag:s14] =	ssyncadd.s32 $0xFFFFC000  }
0xfa: {  	v3 =	vld [tilespmem:s16+$0xC670]  }
0xfb: {  	v9 =	vld [tilespmem:s16+$0xC200]  }
0xfc: {  	v10 =	vld [tilespmem:s16+$0xC210]  }
0xfd: {  	v11 =	vld [tilespmem:s16+$0xC220]  }
0xfe: {  	v12 =	vld [tilespmem:s16+$0xC230]  }
0xff: {  	v13 =	vld [tilespmem:s16+$0xC240]  }
0x100: {  	v14 =	vld [tilespmem:s16+$0xC250]  }
0x101: {  	v15 =	vld [tilespmem:s16+$0xC260]  }
0x102: {  	v16 =	vld [tilespmem:s16+$0xC270]  }
0x103: {  	v17 =	vld [tilespmem:s16+$0xC600]  }
0x104: {  	v8 =	vld [tilespmem:s16+$0xC610]  }
0x105: {  	v7 =	vld [tilespmem:s16+$0xC620]  }
0x106: {  	v6 =	vld [tilespmem:s16+$0xC630]  }
0x107: {  	v5 =	vld [tilespmem:s16+$0xC640]  }
0x108: {  	v4 =	vld [tilespmem:s16+$0xC660]  }
0x109: {  	[tilespmem:s16+$0x670] =	vst.add.f32.msk $0xffff, v3  }
0x10a: {  	v3 =	vld [tilespmem:s16+$0xC650]  }
0x10b: {  	[tilespmem:s16+$0x200] =	vst.add.f32.msk $0xffff, v9  }
0x10c: {  	[tilespmem:s16+$0x210] =	vst.add.f32.msk $0xffff, v10  }
0x10d: {  	[tilespmem:s16+$0x220] =	vst.add.f32.msk $0xffff, v11  }
0x10e: {  	[tilespmem:s16+$0x230] =	vst.add.f32.msk $0xffff, v12  }
0x10f: {  	[tilespmem:s16+$0x240] =	vst.add.f32.msk $0xffff, v13  }
0x110: {  	[tilespmem:s16+$0x250] =	vst.add.f32.msk $0xffff, v14  }
0x111: {  	[tilespmem:s16+$0x260] =	vst.add.f32.msk $0xffff, v15  }
0x112: {  	[tilespmem:s16+$0x270] =	vst.add.f32.msk $0xffff, v16  }
0x113: {  	s17 =	simm.s32 $0x0;
	[tilespmem:s16+$0x600] =	vst.add.f32.msk $0xffff, v17  }
.LBB2_5:
0x114: {  	s17 =	sadd.s32 $0x10, s17;
	[tilespmem:s16+$0x610] =	vst.add.f32.msk $0xffff, v8  }
0x115: {  	s19 =	sadd.s32 $0x800, s19;
	s18 =	sshll.u32 s17, $0x4;
	p0 =	slt.u32 s17, $0x3F0;
	[tilespmem:s16+$0x620] =	vst.add.f32.msk $0xffff, v7  }
0x116: {  	s1 =	sand.u32 $0x1800, s19;
	s14 =	sshll.u32 s17, $0x1;
	s18 =	sand.u32 $0x2000, s18;
	[tilespmem:s16+$0x630] =	vst.add.f32.msk $0xffff, v6  }
0x117: {  	s14 =	sand.u32 $0x380, s14;
	s1 =	sor.u32 s18, s1;
	[tilespmem:s16+$0x640] =	vst.add.f32.msk $0xffff, v5  }
0x118: {  	s1 =	sor.u32 s14, s1;
	[tilespmem:s16+$0x650] =	vst.add.f32.msk $0xffff, v3  }
0x119: {  	[tilespmem:s16+$0x660] =	vst.add.f32.msk $0xffff, v4;
	s16 =	sor.u32 s6, s1  }
0x11a: {  	v3 =	vld [tilespmem:s16+$0xC670]  }
0x11b: {  	v9 =	vld [tilespmem:s16+$0xC200]  }
0x11c: {  	v10 =	vld [tilespmem:s16+$0xC210]  }
0x11d: {  	v11 =	vld [tilespmem:s16+$0xC220]  }
0x11e: {  	v12 =	vld [tilespmem:s16+$0xC230]  }
0x11f: {  	[tilespmem:s16+$0x670] =	vst.add.f32.msk $0xffff, v3  }
0x120: {  	v13 =	vld [tilespmem:s16+$0xC240]  }
0x121: {  	v14 =	vld [tilespmem:s16+$0xC250]  }
0x122: {  	v15 =	vld [tilespmem:s16+$0xC260]  }
0x123: {  	v16 =	vld [tilespmem:s16+$0xC270]  }
0x124: {  	v17 =	vld [tilespmem:s16+$0xC600]  }
0x125: {  	v8 =	vld [tilespmem:s16+$0xC610]  }
0x126: {  	v7 =	vld [tilespmem:s16+$0xC620]  }
0x127: {  	v6 =	vld [tilespmem:s16+$0xC630]  }
0x128: {  	v5 =	vld [tilespmem:s16+$0xC640]  }
0x129: {  	v3 =	vld [tilespmem:s16+$0xC650]  }
0x12a: {  	v4 =	vld [tilespmem:s16+$0xC660]  }
0x12b: {  	[tilespmem:s16+$0x200] =	vst.add.f32.msk $0xffff, v9  }
0x12c: {  	[tilespmem:s16+$0x210] =	vst.add.f32.msk $0xffff, v10  }
0x12d: {  	[tilespmem:s16+$0x220] =	vst.add.f32.msk $0xffff, v11  }
0x12e: {  	[tilespmem:s16+$0x230] =	vst.add.f32.msk $0xffff, v12  }
.Ltmp1:
0x12f: {  	[tilespmem:s16+$0x240] =	vst.add.f32.msk $0xffff, v13;
	(pc) =	sbr.rel @p0 .LBB2_5-.Ltmp1, $4  }
0x130: {  	[tilespmem:s16+$0x250] =	vst.add.f32.msk $0xffff, v14  }
0x131: {  	[tilespmem:s16+$0x260] =	vst.add.f32.msk $0xffff, v15  }
0x132: {  	[tilespmem:s16+$0x270] =	vst.add.f32.msk $0xffff, v16  }
0x133: {  	[tilespmem:s16+$0x600] =	vst.add.f32.msk $0xffff, v17  }
0x134: {  	[tilespmem:s16+$0x610] =	vst.add.f32.msk $0xffff, v8  }
0x135: {  	[tilespmem:s16+$0x620] =	vst.add.f32.msk $0xffff, v7  }
0x136: {  	[tilespmem:s16+$0x630] =	vst.add.f32.msk $0xffff, v6  }
0x137: {  	[tilespmem:s16+$0x640] =	vst.add.f32.msk $0xffff, v5  }
0x138: {  	[tilespmem:s16+$0x650] =	vst.add.f32.msk $0xffff, v3  }
0x139: {  	[tilespmem:s16+$0x660] =	vst.add.f32.msk $0xffff, v4;
	s1 =	sshll.u32 s25, $0x4  }
0x13a: {  	v3 =	vld [tilespmem:s1+$0x20];
	_ =	sdelay $0x4  }
0x13b: {  	v62 =	vshll.u32 v3, $0x3  }
0x13c: {  	v3 =	vand.u32 $0x7, v3;
	v4 =	vand.u32 $0xFFFFFFC0, v62  }
0x13d: {  	v3 =	vor.u32 v3, v4  }
0x13e: {  	v4 =	vperm.xlane v3, v0;
	_ =	sdelay $0x1  }
0x13f: {  	v4 =	vadd.s32 v1, v4;
	_ =	sdelay $0x2  }
0x140: {  	s14 =	sshll.u32 s7, $0xE  }
0x141: {  	s17 =	sadd.s32 $0x1, s7;
	s19 =	sor.u32 $0x200, s14  }
0x142: {  	[tilespmem:s19], [sflag:s17] =	stream.indirect_vreg.gather [hbm4b:s2+s5], $0x80, v4, vm0, $0xb8;
	[tilespmem:$0x18200] =	vst v63  }
0x143: {  	s30 =	sor.u32 $0xA00, s14;
	v3 =	vperm.xlane v3, v2  }
0x144: {  	[tilespmem:s30], [sflag:s17] =	stream.indirect_vreg.gather [hbm4b:s8+s5], $0x80, v4, vm0, $0xb8;
	[tilespmem:$0x18200] =	vst v63  }
0x145: {  	s18 =	sor.u32 $0x1200, s14;
	v3 =	vadd.s32 v1, v3  }
0x146: {  	[tilespmem:s18], [sflag:s17] =	stream.indirect_vreg.gather [hbm4b:s10+s5], $0x80, v4, vm0, $0xb8;
	[tilespmem:$0x18200] =	vst v63  }
0x147: {  	s19 =	sor.u32 $0x1A00, s14  }
0x148: {  	[tilespmem:s19], [sflag:s17] =	stream.indirect_vreg.gather [hbm4b:s11+s5], $0x80, v4, vm0, $0xb8;
	[tilespmem:$0x18200] =	vst v63  }
0x149: {  	s30 =	sor.u32 $0x2200, s14  }
0x14a: {  	[tilespmem:s30], [sflag:s17] =	stream.indirect_vreg.gather [hbm4b:s2+s5], $0x80, v3, vm0, $0xb8;
	[tilespmem:$0x18200] =	vst v63  }
0x14b: {  	s18 =	sor.u32 $0x2A00, s14  }
0x14c: {  	[tilespmem:s18], [sflag:s17] =	stream.indirect_vreg.gather [hbm4b:s8+s5], $0x80, v3, vm0, $0xb8;
	[tilespmem:$0x18200] =	vst v63  }
0x14d: {  	s19 =	sor.u32 $0x3200, s14  }
0x14e: {  	[tilespmem:s19], [sflag:s17] =	stream.indirect_vreg.gather [hbm4b:s10+s5], $0x80, v3, vm0, $0xb8;
	[tilespmem:$0x18200] =	vst v63  }
0x14f: {  	s30 =	sor.u32 $0x3A00, s14  }
0x150: {  	[tilespmem:s30], [sflag:s17] =	stream.indirect_vreg.gather [hbm4b:s11+s5], $0x80, v3, vm0, $0xb8;
	[tilespmem:$0x18200] =	vst v63  }
0x151: {  	v3 =	vld [tilespmem:s1+$0x120];
	_ =	sdelay $0x4  }
0x152: {  	v63 =	vshll.u32 v3, $0x3  }
0x153: {  	v3 =	vand.u32 $0x7, v3;
	v4 =	vand.u32 $0xFFFFFFC0, v63  }
0x154: {  	v3 =	vor.u32 v3, v4  }
0x155: {  	v4 =	vperm.xlane v3, v0;
	_ =	sdelay $0x1  }
0x156: {  	v4 =	vadd.s32 v1, v4;
	_ =	sdelay $0x3  }
0x157: {  	s7 =	sadd.s32 $0x4, s7;
	s16 =	sadd.s32 $0xC200, s14  }
0x158: {  	[tilespmem:s16], [sflag:s7] =	stream.indirect_vreg.gather [hbm4b:s3+s5], $0x80, v4, vm0, $0xb8;
	[tilespmem:$0x18200] =	vst v63  }
0x159: {  	s17 =	sadd.s32 $0xCA00, s14;
	v3 =	vperm.xlane v3, v2  }
0x15a: {  	[tilespmem:s17], [sflag:s7] =	stream.indirect_vreg.gather [hbm4b:s12+s5], $0x80, v4, vm0, $0xb8;
	[tilespmem:$0x18200] =	vst v63  }
0x15b: {  	s18 =	sadd.s32 $0xD200, s14;
	v3 =	vadd.s32 v1, v3  }
0x15c: {  	[tilespmem:s18], [sflag:s7] =	stream.indirect_vreg.gather [hbm4b:s13+s5], $0x80, v4, vm0, $0xb8;
	[tilespmem:$0x18200] =	vst v63  }
0x15d: {  	s19 =	sadd.s32 $0xDA00, s14  }
0x15e: {  	[tilespmem:s19], [sflag:s7] =	stream.indirect_vreg.gather [hbm4b:s15+s5], $0x80, v4, vm0, $0xb8;
	[tilespmem:$0x18200] =	vst v63  }
0x15f: {  	s30 =	sadd.s32 $0xE200, s14  }
0x160: {  	[tilespmem:s30], [sflag:s7] =	stream.indirect_vreg.gather [hbm4b:s3+s5], $0x80, v3, vm0, $0xb8;
	[tilespmem:$0x18200] =	vst v63  }
0x161: {  	s16 =	sadd.s32 $0xEA00, s14;
	s19 =	sshll.u32 s25, $0xE;
	s25 =	sadd.s32 $0x1, s25  }
0x162: {  	[tilespmem:s16], [sflag:s7] =	stream.indirect_vreg.gather [hbm4b:s12+s5], $0x80, v3, vm0, $0xb8;
	[tilespmem:$0x18200] =	vst v63  }
0x163: {  	s17 =	sadd.s32 $0xF200, s14;
	p0 =	sne.s32 s25, $0xE  }
0x164: {  	[tilespmem:s17], [sflag:s7] =	stream.indirect_vreg.gather [hbm4b:s13+s5], $0x80, v3, vm0, $0xb8;
	[tilespmem:$0x18200] =	vst v63  }
.Ltmp2:
0x165: {  	s1 =	sadd.s32 s9, s19;
	(pc) =	sbr.rel @p0 .LBB2_4-.Ltmp2, $4  }
0x166: {  	s18 =	sadd.s32 $0xFA00, s14;
	s1 =	sshrl.u32 s1, $0x3  }
0x167: {  	[tilespmem:s18], [sflag:s7] =	stream.indirect_vreg.gather [hbm4b:s15+s5], $0x80, v3, vm0, $0xb8;
	[tilespmem:$0x18200] =	vst v63  }
0x168: {  	s6 =	sadd.s32 $0x200, s6;
	s30 =	sadd.s32 $0x7, s26;
	s1 =	sadd.s32 s4, s1  }
0x169: {  	[hbm4b:s1+s5] =	stream.linear.scatter [tilespmem:s6], [sflag:s30], $0x4000, $0x38;
	[tilespmem:$0x18200] =	vst v63  }
0x16a: {  	s1 =	simm.s32 $0x3  }
0x16b: {  	_ =	swait.ge [sflag:s1], $0x4000  }
0x16c: {  	s6 =	simm.s32 $0x0;
	s19 =	simm.s32 $0x0;
	[sflag:s1] =	ssyncset.done $0x0  }
0x16d: {  	s14 =	simm.s32 $0x0;
	s7 =	sand.u32 $0x1800, s6;
	[sflag:s1] =	ssyncadd.s32 $0xFFFFC000  }
0x16e: {  	s16 =	sand.u32 $0xFFFFFF80, s14;
	s1 =	sand.u32 $0x2000, s19;
	_ =	swait.ge [sflag:s31], $0x4000  }
0x16f: {  	s25 =	sand.u32 $0x380, s14;
	s1 =	sor.u32 s7, s1;
	[sflag:s31] =	ssyncset.done $0x0  }
0x170: {  	s7 =	sor.u32 s25, s1;
	s1 =	sor.u32 s16, s1;
	[sflag:s31] =	ssyncadd.s32 $0xFFFFC000  }
0x171: {  	s26 =	sor.u32 $0x8470, s1;
	v8 =	vld [tilespmem:s7+$0x14200]  }
0x172: {  	s16 =	sor.u32 $0x8400, s1;
	v3 =	vld [tilespmem:s26+$0xC200]  }
0x173: {  	s17 =	sor.u32 $0x8410, s1;
	v9 =	vld [tilespmem:s16+$0xC200]  }
0x174: {  	s18 =	sor.u32 $0x8420, s1;
	v10 =	vld [tilespmem:s17+$0xC200]  }
0x175: {  	s19 =	sor.u32 $0x8430, s1;
	v11 =	vld [tilespmem:s18+$0xC200]  }
0x176: {  	s25 =	sor.u32 $0x8440, s1;
	v12 =	vld [tilespmem:s19+$0xC200]  }
0x177: {  	s30 =	sor.u32 $0x8450, s1;
	v13 =	vld [tilespmem:s25+$0xC200]  }
0x178: {  	s1 =	sor.u32 $0x8460, s1;
	v14 =	vld [tilespmem:s30+$0xC200]  }
0x179: {  	v15 =	vld [tilespmem:s1+$0xC200]  }
0x17a: {  	v16 =	vld [tilespmem:s7+$0x14210]  }
0x17b: {  	v17 =	vld [tilespmem:s7+$0x14220]  }
0x17c: {  	v7 =	vld [tilespmem:s7+$0x14230]  }
0x17d: {  	v6 =	vld [tilespmem:s7+$0x14240]  }
0x17e: {  	v5 =	vld [tilespmem:s7+$0x14250]  }
0x17f: {  	v4 =	vld [tilespmem:s7+$0x14260]  }
0x180: {  	[tilespmem:s26+$0x200] =	vst.add.f32.msk $0xffff, v3  }
0x181: {  	v3 =	vld [tilespmem:s7+$0x14270]  }
0x182: {  	[tilespmem:s16+$0x200] =	vst.add.f32.msk $0xffff, v9  }
0x183: {  	[tilespmem:s17+$0x200] =	vst.add.f32.msk $0xffff, v10  }
0x184: {  	[tilespmem:s18+$0x200] =	vst.add.f32.msk $0xffff, v11  }
0x185: {  	[tilespmem:s19+$0x200] =	vst.add.f32.msk $0xffff, v12  }
0x186: {  	[tilespmem:s25+$0x200] =	vst.add.f32.msk $0xffff, v13  }
0x187: {  	[tilespmem:s30+$0x200] =	vst.add.f32.msk $0xffff, v14  }
0x188: {  	[tilespmem:s1+$0x200] =	vst.add.f32.msk $0xffff, v15  }
0x189: {  	[tilespmem:s7+$0x8200] =	vst.add.f32.msk $0xffff, v8  }
0x18a: {  	[tilespmem:s7+$0x8210] =	vst.add.f32.msk $0xffff, v16  }
0x18b: {  	s16 =	simm.s32 $0x0;
	[tilespmem:s7+$0x8220] =	vst.add.f32.msk $0xffff, v17  }
.LBB2_8:
0x18c: {  	s16 =	sadd.s32 $0x10, s16;
	[tilespmem:s7+$0x8230] =	vst.add.f32.msk $0xffff, v7  }
0x18d: {  	s6 =	sadd.s32 $0x800, s6;
	s1 =	sshll.u32 s16, $0x4;
	p0 =	slt.u32 s16, $0x3F0;
	[tilespmem:s7+$0x8240] =	vst.add.f32.msk $0xffff, v6  }
0x18e: {  	s14 =	sand.u32 $0x1800, s6;
	s17 =	sshll.u32 s16, $0x1;
	s1 =	sand.u32 $0x2000, s1;
	[tilespmem:s7+$0x8250] =	vst.add.f32.msk $0xffff, v5  }
0x18f: {  	s1 =	sor.u32 s14, s1;
	s14 =	sand.u32 $0xFFFFFF80, s17;
	s17 =	sand.u32 $0x380, s17;
	[tilespmem:s7+$0x8260] =	vst.add.f32.msk $0xffff, v4  }
0x190: {  	s14 =	sor.u32 s14, s1;
	[tilespmem:s7+$0x8270] =	vst.add.f32.msk $0xffff, v3;
	s7 =	sor.u32 s17, s1  }
0x191: {  	v8 =	vld [tilespmem:s7+$0x14200];
	s1 =	sor.u32 $0x8400, s14;
	s17 =	sor.u32 $0x8410, s14;
	s18 =	sor.u32 $0x8470, s14  }
0x192: {  	s19 =	sor.u32 $0x8420, s14;
	s25 =	sor.u32 $0x8430, s14;
	s26 =	sor.u32 $0x8440, s14;
	v3 =	vld [tilespmem:s18+$0xC200]  }
0x193: {  	s30 =	sor.u32 $0x8450, s14;
	s14 =	sor.u32 $0x8460, s14;
	v9 =	vld [tilespmem:s1+$0xC200]  }
0x194: {  	v10 =	vld [tilespmem:s17+$0xC200]  }
0x195: {  	v11 =	vld [tilespmem:s19+$0xC200]  }
0x196: {  	v12 =	vld [tilespmem:s25+$0xC200]  }
0x197: {  	[tilespmem:s18+$0x200] =	vst.add.f32.msk $0xffff, v3  }
0x198: {  	v13 =	vld [tilespmem:s26+$0xC200]  }
0x199: {  	v14 =	vld [tilespmem:s30+$0xC200]  }
0x19a: {  	v15 =	vld [tilespmem:s14+$0xC200]  }
0x19b: {  	v16 =	vld [tilespmem:s7+$0x14210]  }
0x19c: {  	v17 =	vld [tilespmem:s7+$0x14220]  }
0x19d: {  	v7 =	vld [tilespmem:s7+$0x14230]  }
0x19e: {  	v6 =	vld [tilespmem:s7+$0x14240]  }
0x19f: {  	v5 =	vld [tilespmem:s7+$0x14250]  }
0x1a0: {  	v4 =	vld [tilespmem:s7+$0x14260]  }
0x1a1: {  	v3 =	vld [tilespmem:s7+$0x14270]  }
0x1a2: {  	[tilespmem:s1+$0x200] =	vst.add.f32.msk $0xffff, v9  }
0x1a3: {  	[tilespmem:s17+$0x200] =	vst.add.f32.msk $0xffff, v10  }
0x1a4: {  	[tilespmem:s19+$0x200] =	vst.add.f32.msk $0xffff, v11  }
0x1a5: {  	[tilespmem:s25+$0x200] =	vst.add.f32.msk $0xffff, v12  }
0x1a6: {  	[tilespmem:s26+$0x200] =	vst.add.f32.msk $0xffff, v13  }
.Ltmp3:
0x1a7: {  	[tilespmem:s30+$0x200] =	vst.add.f32.msk $0xffff, v14;
	(pc) =	sbr.rel @p0 .LBB2_8-.Ltmp3, $4  }
0x1a8: {  	[tilespmem:s14+$0x200] =	vst.add.f32.msk $0xffff, v15  }
0x1a9: {  	[tilespmem:s7+$0x8200] =	vst.add.f32.msk $0xffff, v8  }
0x1aa: {  	[tilespmem:s7+$0x8210] =	vst.add.f32.msk $0xffff, v16  }
0x1ab: {  	[tilespmem:s7+$0x8220] =	vst.add.f32.msk $0xffff, v17  }
0x1ac: {  	[tilespmem:s7+$0x8230] =	vst.add.f32.msk $0xffff, v7  }
0x1ad: {  	[tilespmem:s7+$0x8240] =	vst.add.f32.msk $0xffff, v6  }
0x1ae: {  	[tilespmem:s7+$0x8250] =	vst.add.f32.msk $0xffff, v5  }
0x1af: {  	[tilespmem:s7+$0x8260] =	vst.add.f32.msk $0xffff, v4  }
0x1b0: {  	[tilespmem:s7+$0x8270] =	vst.add.f32.msk $0xffff, v3  }
0x1b1: {  	s6 =	simm.s32 $0x0;
	s18 =	simm.s32 $0x8200;
	s1 =	rddreg [dreg:$0x9]  }
0x1b2: {  	[hbm4b:s1+s6] =	stream.linear.scatter [tilespmem:s18], [sflag:$0x9], $0x4000, $0x38;
	[tilespmem:$0x18200] =	vst v63  }
0x1b3: {  	_ =	swait.ge [sflag:s28], $0x4000  }
0x1b4: {  	[sflag:s28] =	ssyncset.done $0x0  }
0x1b5: {  	s25 =	simm.s32 $0x0;
	s14 =	simm.s32 $0x0;
	[sflag:s28] =	ssyncadd.s32 $0xFFFFC000  }
0x1b6: {  	s26 =	sand.u32 $0x1800, s6;
	s1 =	sand.u32 $0x2000, s25;
	_ =	swait.ge [sflag:s29], $0x4000  }
0x1b7: {  	s30 =	sand.u32 $0x380, s14;
	s1 =	sor.u32 s26, s1;
	[sflag:s29] =	ssyncset.done $0x0  }
0x1b8: {  	s7 =	sor.u32 s30, s1;
	[sflag:s29] =	ssyncadd.s32 $0xFFFFC000  }
0x1b9: {  	v3 =	vld [tilespmem:s7+$0xC670]  }
0x1ba: {  	v8 =	vld [tilespmem:s7+$0xC200]  }
0x1bb: {  	v9 =	vld [tilespmem:s7+$0xC210]  }
0x1bc: {  	v10 =	vld [tilespmem:s7+$0xC220]  }
0x1bd: {  	v11 =	vld [tilespmem:s7+$0xC230]  }
0x1be: {  	v12 =	vld [tilespmem:s7+$0xC240]  }
0x1bf: {  	v13 =	vld [tilespmem:s7+$0xC250]  }
0x1c0: {  	v14 =	vld [tilespmem:s7+$0xC260]  }
0x1c1: {  	v15 =	vld [tilespmem:s7+$0xC270]  }
0x1c2: {  	v16 =	vld [tilespmem:s7+$0xC600]  }
0x1c3: {  	v17 =	vld [tilespmem:s7+$0xC610]  }
0x1c4: {  	v7 =	vld [tilespmem:s7+$0xC620]  }
0x1c5: {  	v6 =	vld [tilespmem:s7+$0xC630]  }
0x1c6: {  	v5 =	vld [tilespmem:s7+$0xC640]  }
0x1c7: {  	v4 =	vld [tilespmem:s7+$0xC660]  }
0x1c8: {  	[tilespmem:s7+$0x670] =	vst.add.f32.msk $0xffff, v3  }
0x1c9: {  	v3 =	vld [tilespmem:s7+$0xC650]  }
0x1ca: {  	[tilespmem:s7+$0x200] =	vst.add.f32.msk $0xffff, v8  }
0x1cb: {  	[tilespmem:s7+$0x210] =	vst.add.f32.msk $0xffff, v9  }
0x1cc: {  	[tilespmem:s7+$0x220] =	vst.add.f32.msk $0xffff, v10  }
0x1cd: {  	[tilespmem:s7+$0x230] =	vst.add.f32.msk $0xffff, v11  }
0x1ce: {  	[tilespmem:s7+$0x240] =	vst.add.f32.msk $0xffff, v12  }
0x1cf: {  	[tilespmem:s7+$0x250] =	vst.add.f32.msk $0xffff, v13  }
0x1d0: {  	[tilespmem:s7+$0x260] =	vst.add.f32.msk $0xffff, v14  }
0x1d1: {  	[tilespmem:s7+$0x270] =	vst.add.f32.msk $0xffff, v15  }
0x1d2: {  	[tilespmem:s7+$0x600] =	vst.add.f32.msk $0xffff, v16  }
0x1d3: {  	s16 =	simm.s32 $0x0;
	[tilespmem:s7+$0x610] =	vst.add.f32.msk $0xffff, v17  }
.LBB2_10:
0x1d4: {  	s16 =	sadd.s32 $0x10, s16;
	[tilespmem:s7+$0x620] =	vst.add.f32.msk $0xffff, v7  }
0x1d5: {  	s6 =	sadd.s32 $0x800, s6;
	s1 =	sshll.u32 s16, $0x4;
	p0 =	slt.u32 s16, $0x3F0;
	[tilespmem:s7+$0x630] =	vst.add.f32.msk $0xffff, v6  }
0x1d6: {  	s14 =	sand.u32 $0x1800, s6;
	s17 =	sshll.u32 s16, $0x1;
	s1 =	sand.u32 $0x2000, s1;
	[tilespmem:s7+$0x640] =	vst.add.f32.msk $0xffff, v5  }
0x1d7: {  	s1 =	sor.u32 s14, s1;
	s14 =	sand.u32 $0x380, s17;
	[tilespmem:s7+$0x650] =	vst.add.f32.msk $0xffff, v3  }
0x1d8: {  	[tilespmem:s7+$0x660] =	vst.add.f32.msk $0xffff, v4;
	s7 =	sor.u32 s14, s1  }
0x1d9: {  	v3 =	vld [tilespmem:s7+$0xC670]  }
0x1da: {  	v8 =	vld [tilespmem:s7+$0xC200]  }
0x1db: {  	v9 =	vld [tilespmem:s7+$0xC210]  }
0x1dc: {  	v10 =	vld [tilespmem:s7+$0xC220]  }
0x1dd: {  	v11 =	vld [tilespmem:s7+$0xC230]  }
0x1de: {  	[tilespmem:s7+$0x670] =	vst.add.f32.msk $0xffff, v3  }
0x1df: {  	v12 =	vld [tilespmem:s7+$0xC240]  }
0x1e0: {  	v13 =	vld [tilespmem:s7+$0xC250]  }
0x1e1: {  	v14 =	vld [tilespmem:s7+$0xC260]  }
0x1e2: {  	v15 =	vld [tilespmem:s7+$0xC270]  }
0x1e3: {  	v16 =	vld [tilespmem:s7+$0xC600]  }
0x1e4: {  	v17 =	vld [tilespmem:s7+$0xC610]  }
0x1e5: {  	v7 =	vld [tilespmem:s7+$0xC620]  }
0x1e6: {  	v6 =	vld [tilespmem:s7+$0xC630]  }
0x1e7: {  	v5 =	vld [tilespmem:s7+$0xC640]  }
0x1e8: {  	v3 =	vld [tilespmem:s7+$0xC650]  }
0x1e9: {  	v4 =	vld [tilespmem:s7+$0xC660]  }
0x1ea: {  	[tilespmem:s7+$0x200] =	vst.add.f32.msk $0xffff, v8  }
0x1eb: {  	[tilespmem:s7+$0x210] =	vst.add.f32.msk $0xffff, v9  }
0x1ec: {  	[tilespmem:s7+$0x220] =	vst.add.f32.msk $0xffff, v10  }
0x1ed: {  	[tilespmem:s7+$0x230] =	vst.add.f32.msk $0xffff, v11  }
0x1ee: {  	[tilespmem:s7+$0x240] =	vst.add.f32.msk $0xffff, v12  }
.Ltmp4:
0x1ef: {  	[tilespmem:s7+$0x250] =	vst.add.f32.msk $0xffff, v13;
	(pc) =	sbr.rel @p0 .LBB2_10-.Ltmp4, $4  }
0x1f0: {  	[tilespmem:s7+$0x260] =	vst.add.f32.msk $0xffff, v14  }
0x1f1: {  	[tilespmem:s7+$0x270] =	vst.add.f32.msk $0xffff, v15  }
0x1f2: {  	[tilespmem:s7+$0x600] =	vst.add.f32.msk $0xffff, v16  }
0x1f3: {  	[tilespmem:s7+$0x610] =	vst.add.f32.msk $0xffff, v17  }
0x1f4: {  	[tilespmem:s7+$0x620] =	vst.add.f32.msk $0xffff, v7  }
0x1f5: {  	[tilespmem:s7+$0x630] =	vst.add.f32.msk $0xffff, v6  }
0x1f6: {  	[tilespmem:s7+$0x640] =	vst.add.f32.msk $0xffff, v5  }
0x1f7: {  	[tilespmem:s7+$0x650] =	vst.add.f32.msk $0xffff, v3  }
0x1f8: {  	[tilespmem:s7+$0x660] =	vst.add.f32.msk $0xffff, v4  }
0x1f9: {  	s1 =	rddreg [dreg:$0xa]  }
0x1fa: {  	[hbm4b:s1+s5] =	stream.linear.scatter [tilespmem:s20], [sflag:$0x7], $0x4000, $0x38;
	[tilespmem:$0x18200] =	vst v63  }
0x1fb: {  	_ =	swait.ge [sflag:s0], $0x4000  }
0x1fc: {  	[sflag:s0] =	ssyncset.done $0x0  }
0x1fd: {  	[sflag:s0] =	ssyncadd.s32 $0xFFFFC000  }
0x1fe: {  	_ =	swait.ge [sflag:s22], $0x4000  }
0x1ff: {  	[sflag:s22] =	ssyncset.done $0x0  }
0x200: {  	[sflag:s22] =	ssyncadd.s32 $0xFFFFC000  }
0x201: {  	_ =	swait.ge [sflag:s23], $0x4000  }
0x202: {  	s24 =	sadd.s32 $0x1, s24;
	s30 =	rddreg [dreg:$0xb]  }
0x203: {  	p0 =	sne.s32 s24, s30  }
.Ltmp5:
0x204: {  	_ = 	snop;
	(pc) =	sbr.rel @p0 .LBB2_1-.Ltmp5, $3  }
0x205: {  	_ =	sdelay $0x1  }
0x206: {  	[sflag:s23] =	ssyncset.done $0x0  }
0x207: {  	[sflag:s23] =	ssyncadd.s32 $0xFFFFC000  }
0x208: {  	_ =	sfence.sel $0x180000  }
0x209: {  	[bflag:$0x0] =	sbarrier.arrive $0xFFFF  }
0x20a: {  	_ =	strace $0x90000047  }
0x20b: {  	s0 =	stileid.u32;
	[bflag:$0x2] =	sbarrier.arrive $0xFFFF  }
0x20c: {  	p0 =	sne.s32 s0, $0x0;
	s0 =	rddreg [dreg:$0x5]  }
0x20d: {  	s0 =	sadd.s32 @!p0 $0x100000, s0  }
0x20e: {  	[sflag:s0] =	ssyncadd.tile.s32 @!p0 $0x1;
	_ =	shalt  }
.Lfunc_end2:
_tile_overlayer_lowered:
.L_overlay_start_2:
0x20f: {  	(tag) =	ssettag $0x2  }
0x210: {  	s0 =	rddreg [dreg:$0x0];
	s2 =	stileid.u32  }
0x211: {  	s1 =	rddreg [dreg:$0x1];
	p0 =	sne.s32 s2, $0x0  }
0x212: {  	s3 =	rddreg [dreg:$0x2];
	[bflag:$0x3] =	sbarrier.arrive $0xFFFF;
	s2 =	simm.s32 @!p0 $0x1C0A  }
0x213: {  	[timem:s3], [sflag:s2] =	dma.local @!p0 [hbm:s0], s1  }
0x214: {  	s0 =	simm.s32 @!p0 $0xA  }
0x215: {  	_ =	swait.ge @!p0 [sflag:s0], s1  }
0x216: {  	s1 =	ssub.s32 @!p0 $0x0, s1;
	[sflag:s0] =	ssyncset.done @!p0 $0x0  }
0x217: {  	[sflag:s0] =	ssyncadd.s32 @!p0 s1  }
0x218: {  	[bflag:$0x3] =	sbarrier.arrive $0xFFFF  }
0x219: {  	_ =	shalt  }

</sc_bundles>
